<compile_context>
chip_gen: v7x
topology: tpu7x:2x2x1
jax: 0.10.2.dev20260603
libtpu: 0.0.44.dev20260713+nightly
codegen_flags: <defaults>
</compile_context>

<pallas_src>
import functools

import jax
import jax.numpy as jnp
from jax import lax
from jax.experimental import pallas as pl
from jax.experimental.pallas import tpu as pltpu
from jax.experimental.pallas import tpu_sc as plsc

N = 10000
E = 320000
D = 128
DE = 16
NUM_GATE_TYPES = 32
NUM_LAYERS = 3
BN_EPS = 1e-5

NC = 2
NS = 16
NW = NC * NS
NPAD = 10240
ROWS_PER_SUB = NPAD // NS
CHUNK = 128
NCHUNKS = 79
EPW = CHUNK * NCHUNKS
EP = EPW * NW


@functools.lru_cache(maxsize=None)
def _make_sc_seg_sum(gather):
    mesh = plsc.VectorSubcoreMesh(core_axis_name="c", subcore_axis_name="s")

    @functools.partial(
        pl.kernel,
        out_type=jax.ShapeDtypeStruct((NC, NPAD, D), jnp.float32),
        mesh=mesh,
        scratch_types=[
            pltpu.VMEM((CHUNK,), jnp.int32),
            pltpu.VMEM((CHUNK,), jnp.int32),
            pltpu.VMEM((CHUNK, D), jnp.float32),
            pltpu.VMEM_SHARED((NPAD, D), jnp.float32),
            pltpu.SemaphoreType.DMA,
        ],
    )
    def k(table_hbm, src_hbm, dst_hbm, zeros_hbm, out_hbm,
          src_v, dst_v, rows_v, acc_sh, sem):
        c = lax.axis_index("c")
        s = lax.axis_index("s")
        wid = s * NC + c
        r0 = s * ROWS_PER_SUB
        pltpu.sync_copy(zeros_hbm.at[pl.ds(r0, ROWS_PER_SUB)],
                        acc_sh.at[pl.ds(r0, ROWS_PER_SUB)])
        plsc.subcore_barrier()

        base_w = wid * EPW

        def body(i, _):
            base = base_w + i * CHUNK
            pltpu.sync_copy(dst_hbm.at[pl.ds(base, CHUNK)], dst_v)
            if gather:
                pltpu.sync_copy(src_hbm.at[pl.ds(base, CHUNK)], src_v)
                pltpu.async_copy(table_hbm.at[src_v], rows_v, sem).wait()
            else:
                pltpu.sync_copy(table_hbm.at[pl.ds(base, CHUNK)], rows_v)
            pltpu.sync_copy(rows_v, acc_sh.at[dst_v], add=True)
            return 0

        lax.fori_loop(0, NCHUNKS, body, 0)
        plsc.subcore_barrier()
        pltpu.sync_copy(acc_sh.at[pl.ds(r0, ROWS_PER_SUB)],
                        out_hbm.at[c, pl.ds(r0, ROWS_PER_SUB)])

    return k


def _embed_body(gt_ref, embed_ref, out_ref):
    gt = gt_ref[...]
    ids = lax.broadcasted_iota(jnp.int32, (1, NUM_GATE_TYPES), 1)
    onehot = jnp.where(gt == ids, 1.0, 0.0).astype(jnp.float32)
    out_ref[...] = jnp.dot(onehot, embed_ref[...],
                           preferred_element_type=jnp.float32, precision=lax.Precision.HIGHEST)


def _tc_embed(gate_type, embed):
    return pl.pallas_call(
        _embed_body,
        out_shape=jax.ShapeDtypeStruct((N, D), jnp.float32),
    )(gate_type.reshape(N, 1), embed)


def _bdot(a, b):
    return jnp.dot(a.astype(jnp.bfloat16), b.astype(jnp.bfloat16),
                   preferred_element_type=jnp.float32)


def _dense_body(h_ref, ph_ref, pw_ref, w1a_ref, w1b_ref, b1_ref,
                w2_ref, b2_ref, g_ref, bt_ref, out_ref):
    t = h_ref[...] + ph_ref[0, :N, :] + ph_ref[1, :N, :]
    u = pw_ref[0, :N, :DE] + pw_ref[1, :N, :DE]
    x = (_bdot(t, w1a_ref[...]) + _bdot(u, w1b_ref[...]) + b1_ref[...])
    x = jnp.maximum(x, 0.0)
    x = _bdot(x, w2_ref[...]) + b2_ref[...]
    mu = jnp.mean(x, axis=0, keepdims=True)
    var = jnp.mean((x - mu) ** 2, axis=0, keepdims=True)
    xn = (x - mu) * lax.rsqrt(var + BN_EPS) * g_ref[...] + bt_ref[...]
    out_ref[...] = jnp.where(xn >= 0, xn, 0.01 * xn)


def _tc_dense(h, ph, pw, w1, b1, w2, b2, gamma, beta):
    w1a = w1[:D, :]
    w1b = w1[D:, :]
    return pl.pallas_call(
        _dense_body,
        out_shape=jax.ShapeDtypeStruct((N, D), jnp.float32),
    )(h, ph, pw, w1a, w1b, b1.reshape(1, D), w2, b2.reshape(1, D),
      gamma.reshape(1, D), beta.reshape(1, D))


def kernel(gate_type, edge_index, edge_attr, embed, W1, b1, W2, b2, gamma, beta):
    src = jnp.concatenate(
        [edge_index[0], jnp.zeros((EP - E,), edge_index.dtype)])
    dst = jnp.concatenate(
        [edge_index[1], jnp.full((EP - E,), NPAD - 1, edge_index.dtype)])
    ea_pad = jnp.zeros((EP, D), jnp.float32).at[:E, :DE].set(edge_attr)
    zeros = jnp.zeros((NPAD, D), jnp.float32)

    h = _tc_embed(gate_type, embed)
    pw = _make_sc_seg_sum(False)(ea_pad, src, dst, zeros)
    for l in range(NUM_LAYERS):
        ph = _make_sc_seg_sum(True)(h, src, dst, zeros)
        h = _tc_dense(h, ph, pw, W1[l], b1[l], W2[l], b2[l], gamma[l], beta[l])
    return h

# --- scband reference (transcript-rebuilt; emitter-appended) ---
"""Pipeline reference for scband-qgin-25649544692299 (READ-ONLY COPY).

The authoritative reference and input builder live on the scoring server;
editing this copy changes nothing except your own understanding.
"""

import jax, jax.numpy as jnp
import numpy as np

N = 10000
E = 320000
D = 128          # hidden_dim == gate_type_embed_dim == output_dim
DE = 16          # edge feature dim (edata 'w')
NUM_GATE_TYPES = 32
NUM_LAYERS = 3
EPS = 0.0        # init_eps=0, learn_eps=False
BN_EPS = 1e-5


def setup_inputs(seed: int = 0) -> dict:
    key = jax.random.key(seed)
    ks = jax.random.split(key, 12)
    gate_type = jax.random.randint(ks[0], (N,), 0, NUM_GATE_TYPES)
    edge_index = jax.random.randint(ks[1], (2, E), 0, N)
    edge_attr = jax.random.normal(ks[2], (E, DE), dtype=jnp.float32)
    # learned parameters
    embed = jax.random.normal(ks[3], (NUM_GATE_TYPES, D), dtype=jnp.float32) * 0.02
    # per-layer MLP (num_mlp_layers=2): (D+DE)->D, D->D ; BN gamma/beta on D
    W1 = jax.random.normal(ks[4], (NUM_LAYERS, D + DE, D), dtype=jnp.float32) * (1.0 / np.sqrt(D + DE))
    b1 = jnp.zeros((NUM_LAYERS, D), dtype=jnp.float32)
    W2 = jax.random.normal(ks[5], (NUM_LAYERS, D, D), dtype=jnp.float32) * (1.0 / np.sqrt(D))
    b2 = jnp.zeros((NUM_LAYERS, D), dtype=jnp.float32)
    gamma = jnp.ones((NUM_LAYERS, D), dtype=jnp.float32)
    beta = jnp.zeros((NUM_LAYERS, D), dtype=jnp.float32)
    return {
        "gate_type": gate_type,
        "edge_index": edge_index,
        "edge_attr": edge_attr,
        "embed": embed,
        "W1": W1,
        "b1": b1,
        "W2": W2,
        "b2": b2,
        "gamma": gamma,
        "beta": beta,
    }


def reference(gate_type, edge_index, edge_attr, embed, W1, b1, W2, b2, gamma, beta):
    # QGIN forward (graph_pooling_type='none'): embed gate types, then
    # NUM_LAYERS QGINConv layers. QGINConv message = concat(h[src], edge_w);
    # sum-aggregate over dst; pad h with zeros to match neigh dim;
    # rst = (1+eps)*h_pad + neigh; ApplyNodeFunc = MLP -> BN -> leaky_relu.
    src = edge_index[0]
    dst = edge_index[1]
    h = jnp.take(embed, gate_type, axis=0)  # [N, D]
    n = h.shape[0]
    de = edge_attr.shape[1]
    for l in range(NUM_LAYERS):
        # message: concat src feature with edge data 'w'  -> [E, D+DE]
        m = jnp.concatenate([jnp.take(h, src, axis=0), edge_attr], axis=1)
        # sum reduce into dst nodes (neighbor_pooling_type='sum')
        neigh = jax.ops.segment_sum(m, dst, num_segments=n)
        # pad feat with zeros so dims match
        h_pad = jnp.concatenate([h, jnp.zeros((n, de), dtype=h.dtype)], axis=1)
        rst = (1.0 + EPS) * h_pad + neigh
        # ApplyNodeFunc: MLP (2 linear layers, relu between) -> BN -> leaky_relu
        x = rst @ W1[l] + b1[l]
        x = jax.nn.relu(x)
        x = x @ W2[l] + b2[l]
        mu = jnp.mean(x, axis=0)
        var = jnp.var(x, axis=0)
        x = (x - mu) / jnp.sqrt(var + BN_EPS) * gamma[l] + beta[l]
        h = jax.nn.leaky_relu(x, negative_slope=0.01)
    return h

if __name__ == "__main__":
    import jax
    _d = setup_inputs()
    print(jax.jit(kernel)(*tuple(_d.values())))

</pallas_src>

<mosaic_0001>
#map = affine_map<(d0, d1) -> (0, 0)>
#map1 = affine_map<(d0, d1) -> (0)>
#map2 = affine_map<(d0, d1) -> (0, 0, 0)>
module attributes {stable_mosaic.version = 14 : i64} {
  func.func @k(%arg0: i32, %arg1: i32, %arg2: memref<323584x128xf32, #tpu.memory_space<hbm>>, %arg3: memref<323584xi32, #tpu.memory_space<hbm>>, %arg4: memref<323584xi32, #tpu.memory_space<hbm>>, %arg5: memref<10240x128xf32, #tpu.memory_space<hbm>>, %arg6: memref<2x10240x128xf32, #tpu.memory_space<hbm>>, %arg7: memref<128xi32, #tpu.memory_space<vmem>>, %arg8: memref<128xi32, #tpu.memory_space<vmem>>, %arg9: memref<128x128xf32, #tpu.memory_space<vmem>>, %arg10: memref<10240x128xf32, #tpu.memory_space<vmem_shared>>, %arg11: memref<!tpu.dma_semaphore, #tpu.memory_space<semaphore_mem>>) attributes {dimension_semantics = [#tpu.dimension_semantics<core_parallel>, #tpu.dimension_semantics<subcore_parallel>], iteration_bounds = array<i64: 2, 16>, scalar_prefetch = 0 : i64, scratch_operands = 5 : i64, tpu.core_type = #tpu.core_type<sc_vector_subcore>, window_params = [{transform_indices = #map}, {transform_indices = #map1}, {transform_indices = #map1}, {transform_indices = #map}, {transform_indices = #map2}]} {
    %mul3A = arith.constant 2 : i32
    %mul3A_0 = arith.muli %arg1, %mul3A : i32
    %add3A = arith.addi %mul3A_0, %arg0 : i32
    %mul3A_1 = arith.constant 640 : i32
    %mul3A_2 = arith.muli %arg1, %mul3A_1 : i32
    "tpu.region"() ({
      %run_scoped3A = tpu.sem_alloc : memref<!tpu.dma_semaphore, #tpu.memory_space<semaphore_mem>>
      %dma_start3A = arith.constant 0 : i32
      %dma_start3A_12 = tpu.memref_slice %arg10[%mul3A_2, %dma_start3A] : memref<10240x128xf32, #tpu.memory_space<vmem_shared>> -> memref<640x128xf32, #tpu.memory_space<vmem_shared>>
      %dma_start3A_13 = arith.constant 0 : i32
      %dma_start3A_14 = tpu.memref_slice %arg5[%mul3A_2, %dma_start3A_13] : memref<10240x128xf32, #tpu.memory_space<hbm>> -> memref<640x128xf32, #tpu.memory_space<hbm>>
      tpu.enqueue_dma source(%dma_start3A_14 : memref<640x128xf32, #tpu.memory_space<hbm>>) target(%dma_start3A_12 : memref<640x128xf32, #tpu.memory_space<vmem_shared>>) target_semaphore(%run_scoped3A : memref<!tpu.dma_semaphore, #tpu.memory_space<semaphore_mem>>)
      %dma_wait3A = arith.constant 0 : i32
      %dma_wait3A_15 = tpu.memref_slice %arg10[%mul3A_2, %dma_wait3A] : memref<10240x128xf32, #tpu.memory_space<vmem_shared>> -> memref<640x128xf32, #tpu.memory_space<vmem_shared>>
      %dma_wait3A_16 = arith.constant 0 : i32
      %dma_wait3A_17 = tpu.memref_slice %arg5[%mul3A_2, %dma_wait3A_16] : memref<10240x128xf32, #tpu.memory_space<hbm>> -> memref<640x128xf32, #tpu.memory_space<hbm>>
      tpu.wait_dma2 semaphore(%run_scoped3A : memref<!tpu.dma_semaphore, #tpu.memory_space<semaphore_mem>>) src(%dma_wait3A_17 : memref<640x128xf32, #tpu.memory_space<hbm>>) dst(%dma_wait3A_15 : memref<640x128xf32, #tpu.memory_space<vmem_shared>>)
      tpu.yield
    }) : () -> ()
    %barrier3A = arith.constant 0 : index
    tpu.barrier barrier_id(%barrier3A)
    %mul3A_3 = arith.constant 10112 : i32
    %mul3A_4 = arith.muli %add3A, %mul3A_3 : i32
    %scan3A = arith.constant 0 : i32
    %scan3A_5 = arith.constant 0 : i32
    %scan3A_6 = arith.constant 79 : i32
    %scan3A_7 = arith.addi %scan3A_5, %scan3A_6 : i32
    %scan3A_8 = arith.constant 1 : i32
    %scan3A_9 = scf.for %scan3A_12 = %scan3A_5 to %scan3A_7 step %scan3A_8 iter_args(%scan3A_13 = %scan3A) -> (i32)  : i32 {
      %mul3A_14 = arith.constant 128 : i32
      %mul3A_15 = arith.muli %scan3A_12, %mul3A_14 : i32
      %add3A_16 = arith.addi %mul3A_4, %mul3A_15 : i32
      "tpu.region"() ({
        %run_scoped3A = tpu.sem_alloc : memref<!tpu.dma_semaphore, #tpu.memory_space<semaphore_mem>>
        %dma_start3A = tpu.memref_slice %arg4[%add3A_16] : memref<323584xi32, #tpu.memory_space<hbm>> -> memref<128xi32, #tpu.memory_space<hbm>>
        %dma_start3A_18 = tpu.memref_slice %arg4[%add3A_16] : memref<323584xi32, #tpu.memory_space<hbm>> -> memref<128xi32, #tpu.memory_space<hbm>>
        tpu.enqueue_dma source(%dma_start3A_18 : memref<128xi32, #tpu.memory_space<hbm>>) target(%arg8 : memref<128xi32, #tpu.memory_space<vmem>>) target_semaphore(%run_scoped3A : memref<!tpu.dma_semaphore, #tpu.memory_space<semaphore_mem>>)
        %dma_wait3A = tpu.memref_slice %arg4[%add3A_16] : memref<323584xi32, #tpu.memory_space<hbm>> -> memref<128xi32, #tpu.memory_space<hbm>>
        %dma_wait3A_19 = tpu.memref_slice %arg4[%add3A_16] : memref<323584xi32, #tpu.memory_space<hbm>> -> memref<128xi32, #tpu.memory_space<hbm>>
        tpu.wait_dma2 semaphore(%run_scoped3A : memref<!tpu.dma_semaphore, #tpu.memory_space<semaphore_mem>>) src(%dma_wait3A_19 : memref<128xi32, #tpu.memory_space<hbm>>) dst(%arg8 : memref<128xi32, #tpu.memory_space<vmem>>)
        tpu.yield
      }) : () -> ()
      "tpu.region"() ({
        %run_scoped3A = tpu.sem_alloc : memref<!tpu.dma_semaphore, #tpu.memory_space<semaphore_mem>>
        %dma_start3A = arith.constant 0 : i32
        %dma_start3A_18 = tpu.memref_slice %arg2[%add3A_16, %dma_start3A] : memref<323584x128xf32, #tpu.memory_space<hbm>> -> memref<128x128xf32, #tpu.memory_space<hbm>>
        %dma_start3A_19 = arith.constant 0 : i32
        %dma_start3A_20 = tpu.memref_slice %arg2[%add3A_16, %dma_start3A_19] : memref<323584x128xf32, #tpu.memory_space<hbm>> -> memref<128x128xf32, #tpu.memory_space<hbm>>
        tpu.enqueue_dma source(%dma_start3A_20 : memref<128x128xf32, #tpu.memory_space<hbm>>) target(%arg9 : memref<128x128xf32, #tpu.memory_space<vmem>>) target_semaphore(%run_scoped3A : memref<!tpu.dma_semaphore, #tpu.memory_space<semaphore_mem>>)
        %dma_wait3A = arith.constant 0 : i32
        %dma_wait3A_21 = tpu.memref_slice %arg2[%add3A_16, %dma_wait3A] : memref<323584x128xf32, #tpu.memory_space<hbm>> -> memref<128x128xf32, #tpu.memory_space<hbm>>
        %dma_wait3A_22 = arith.constant 0 : i32
        %dma_wait3A_23 = tpu.memref_slice %arg2[%add3A_16, %dma_wait3A_22] : memref<323584x128xf32, #tpu.memory_space<hbm>> -> memref<128x128xf32, #tpu.memory_space<hbm>>
        tpu.wait_dma2 semaphore(%run_scoped3A : memref<!tpu.dma_semaphore, #tpu.memory_space<semaphore_mem>>) src(%dma_wait3A_23 : memref<128x128xf32, #tpu.memory_space<hbm>>) dst(%arg9 : memref<128x128xf32, #tpu.memory_space<vmem>>)
        tpu.yield
      }) : () -> ()
      "tpu.region"() ({
        %run_scoped3A = tpu.sem_alloc : memref<!tpu.dma_semaphore, #tpu.memory_space<semaphore_mem>>
        %dma_start3A = arith.constant 0 : i32
        %dma_start3A_18 = arith.constant 0 : i32
        %dma_start3A_19 = tpu.memref_slice %arg10[%dma_start3A, %dma_start3A_18] : memref<10240x128xf32, #tpu.memory_space<vmem_shared>> -> memref<10240x128xf32, #tpu.memory_space<vmem_shared>>
        tpu.enqueue_indirect_dma source(%arg9 : memref<128x128xf32, #tpu.memory_space<vmem>>) target(%dma_start3A_19 : memref<10240x128xf32, #tpu.memory_space<vmem_shared>>) offsets(%arg8 : memref<128xi32, #tpu.memory_space<vmem>>) semaphore(%run_scoped3A : memref<!tpu.dma_semaphore, #tpu.memory_space<semaphore_mem>>) {add = true}
        %dma_wait3A = arith.constant 0 : i32
        %dma_wait3A_20 = arith.constant 0 : i32
        %dma_wait3A_21 = tpu.memref_slice %arg10[%dma_wait3A, %dma_wait3A_20] : memref<10240x128xf32, #tpu.memory_space<vmem_shared>> -> memref<10240x128xf32, #tpu.memory_space<vmem_shared>>
        tpu.wait_indirect_dma semaphore(%run_scoped3A : memref<!tpu.dma_semaphore, #tpu.memory_space<semaphore_mem>>) src(%arg9 : memref<128x128xf32, #tpu.memory_space<vmem>>) dst(%dma_wait3A_21 : memref<10240x128xf32, #tpu.memory_space<vmem_shared>>)
        tpu.yield
      }) : () -> ()
      %scan3A_17 = arith.constant 0 : i32
      scf.yield %scan3A_17 : i32
    }
    %scan3A_10 = arith.constant 79 : i32
    %barrier3A_11 = arith.constant 0 : index
    tpu.barrier barrier_id(%barrier3A_11)
    "tpu.region"() ({
      %run_scoped3A = tpu.sem_alloc : memref<!tpu.dma_semaphore, #tpu.memory_space<semaphore_mem>>
      %dma_start3A = arith.constant 0 : i32
      %dma_start3A_12 = tpu.memref_slice %arg6[%arg0, %mul3A_2, %dma_start3A] : memref<2x10240x128xf32, #tpu.memory_space<hbm>> -> memref<1x640x128xf32, #tpu.memory_space<hbm>>
      %dma_start3A_13 = tpu.memref_squeeze %dma_start3A_12 : memref<1x640x128xf32, #tpu.memory_space<hbm>> -> memref<640x128xf32, #tpu.memory_space<hbm>>
      %dma_start3A_14 = arith.constant 0 : i32
      %dma_start3A_15 = tpu.memref_slice %arg10[%mul3A_2, %dma_start3A_14] : memref<10240x128xf32, #tpu.memory_space<vmem_shared>> -> memref<640x128xf32, #tpu.memory_space<vmem_shared>>
      tpu.enqueue_dma source(%dma_start3A_15 : memref<640x128xf32, #tpu.memory_space<vmem_shared>>) target(%dma_start3A_13 : memref<640x128xf32, #tpu.memory_space<hbm>>) target_semaphore(%run_scoped3A : memref<!tpu.dma_semaphore, #tpu.memory_space<semaphore_mem>>)
      %dma_wait3A = arith.constant 0 : i32
      %dma_wait3A_16 = tpu.memref_slice %arg6[%arg0, %mul3A_2, %dma_wait3A] : memref<2x10240x128xf32, #tpu.memory_space<hbm>> -> memref<1x640x128xf32, #tpu.memory_space<hbm>>
      %dma_wait3A_17 = tpu.memref_squeeze %dma_wait3A_16 : memref<1x640x128xf32, #tpu.memory_space<hbm>> -> memref<640x128xf32, #tpu.memory_space<hbm>>
      %dma_wait3A_18 = arith.constant 0 : i32
      %dma_wait3A_19 = tpu.memref_slice %arg10[%mul3A_2, %dma_wait3A_18] : memref<10240x128xf32, #tpu.memory_space<vmem_shared>> -> memref<640x128xf32, #tpu.memory_space<vmem_shared>>
      tpu.wait_dma2 semaphore(%run_scoped3A : memref<!tpu.dma_semaphore, #tpu.memory_space<semaphore_mem>>) src(%dma_wait3A_19 : memref<640x128xf32, #tpu.memory_space<vmem_shared>>) dst(%dma_wait3A_17 : memref<640x128xf32, #tpu.memory_space<hbm>>)
      tpu.yield
    }) : () -> ()
    return
  }
}

#map = affine_map<(d0, d1) -> (0, 0)>
#map1 = affine_map<(d0, d1) -> (0)>
#map2 = affine_map<(d0, d1) -> (0, 0, 0)>
module attributes {stable_mosaic.version = 14 : i64} {
  func.func @k(%arg0: i32, %arg1: i32, %arg2: memref<10000x128xf32, #tpu.memory_space<hbm>>, %arg3: memref<323584xi32, #tpu.memory_space<hbm>>, %arg4: memref<323584xi32, #tpu.memory_space<hbm>>, %arg5: memref<10240x128xf32, #tpu.memory_space<hbm>>, %arg6: memref<2x10240x128xf32, #tpu.memory_space<hbm>>, %arg7: memref<128xi32, #tpu.memory_space<vmem>>, %arg8: memref<128xi32, #tpu.memory_space<vmem>>, %arg9: memref<128x128xf32, #tpu.memory_space<vmem>>, %arg10: memref<10240x128xf32, #tpu.memory_space<vmem_shared>>, %arg11: memref<!tpu.dma_semaphore, #tpu.memory_space<semaphore_mem>>) attributes {dimension_semantics = [#tpu.dimension_semantics<core_parallel>, #tpu.dimension_semantics<subcore_parallel>], iteration_bounds = array<i64: 2, 16>, scalar_prefetch = 0 : i64, scratch_operands = 5 : i64, tpu.core_type = #tpu.core_type<sc_vector_subcore>, window_params = [{transform_indices = #map}, {transform_indices = #map1}, {transform_indices = #map1}, {transform_indices = #map}, {transform_indices = #map2}]} {
    %mul3A = arith.constant 2 : i32
    %mul3A_0 = arith.muli %arg1, %mul3A : i32
    %add3A = arith.addi %mul3A_0, %arg0 : i32
    %mul3A_1 = arith.constant 640 : i32
    %mul3A_2 = arith.muli %arg1, %mul3A_1 : i32
    "tpu.region"() ({
      %run_scoped3A = tpu.sem_alloc : memref<!tpu.dma_semaphore, #tpu.memory_space<semaphore_mem>>
      %dma_start3A = arith.constant 0 : i32
      %dma_start3A_12 = tpu.memref_slice %arg10[%mul3A_2, %dma_start3A] : memref<10240x128xf32, #tpu.memory_space<vmem_shared>> -> memref<640x128xf32, #tpu.memory_space<vmem_shared>>
      %dma_start3A_13 = arith.constant 0 : i32
      %dma_start3A_14 = tpu.memref_slice %arg5[%mul3A_2, %dma_start3A_13] : memref<10240x128xf32, #tpu.memory_space<hbm>> -> memref<640x128xf32, #tpu.memory_space<hbm>>
      tpu.enqueue_dma source(%dma_start3A_14 : memref<640x128xf32, #tpu.memory_space<hbm>>) target(%dma_start3A_12 : memref<640x128xf32, #tpu.memory_space<vmem_shared>>) target_semaphore(%run_scoped3A : memref<!tpu.dma_semaphore, #tpu.memory_space<semaphore_mem>>)
      %dma_wait3A = arith.constant 0 : i32
      %dma_wait3A_15 = tpu.memref_slice %arg10[%mul3A_2, %dma_wait3A] : memref<10240x128xf32, #tpu.memory_space<vmem_shared>> -> memref<640x128xf32, #tpu.memory_space<vmem_shared>>
      %dma_wait3A_16 = arith.constant 0 : i32
      %dma_wait3A_17 = tpu.memref_slice %arg5[%mul3A_2, %dma_wait3A_16] : memref<10240x128xf32, #tpu.memory_space<hbm>> -> memref<640x128xf32, #tpu.memory_space<hbm>>
      tpu.wait_dma2 semaphore(%run_scoped3A : memref<!tpu.dma_semaphore, #tpu.memory_space<semaphore_mem>>) src(%dma_wait3A_17 : memref<640x128xf32, #tpu.memory_space<hbm>>) dst(%dma_wait3A_15 : memref<640x128xf32, #tpu.memory_space<vmem_shared>>)
      tpu.yield
    }) : () -> ()
    %barrier3A = arith.constant 0 : index
    tpu.barrier barrier_id(%barrier3A)
    %mul3A_3 = arith.constant 10112 : i32
    %mul3A_4 = arith.muli %add3A, %mul3A_3 : i32
    %scan3A = arith.constant 0 : i32
    %scan3A_5 = arith.constant 0 : i32
    %scan3A_6 = arith.constant 79 : i32
    %scan3A_7 = arith.addi %scan3A_5, %scan3A_6 : i32
    %scan3A_8 = arith.constant 1 : i32
    %scan3A_9 = scf.for %scan3A_12 = %scan3A_5 to %scan3A_7 step %scan3A_8 iter_args(%scan3A_13 = %scan3A) -> (i32)  : i32 {
      %mul3A_14 = arith.constant 128 : i32
      %mul3A_15 = arith.muli %scan3A_12, %mul3A_14 : i32
      %add3A_16 = arith.addi %mul3A_4, %mul3A_15 : i32
      "tpu.region"() ({
        %run_scoped3A = tpu.sem_alloc : memref<!tpu.dma_semaphore, #tpu.memory_space<semaphore_mem>>
        %dma_start3A_22 = tpu.memref_slice %arg4[%add3A_16] : memref<323584xi32, #tpu.memory_space<hbm>> -> memref<128xi32, #tpu.memory_space<hbm>>
        %dma_start3A_23 = tpu.memref_slice %arg4[%add3A_16] : memref<323584xi32, #tpu.memory_space<hbm>> -> memref<128xi32, #tpu.memory_space<hbm>>
        tpu.enqueue_dma source(%dma_start3A_23 : memref<128xi32, #tpu.memory_space<hbm>>) target(%arg8 : memref<128xi32, #tpu.memory_space<vmem>>) target_semaphore(%run_scoped3A : memref<!tpu.dma_semaphore, #tpu.memory_space<semaphore_mem>>)
        %dma_wait3A_24 = tpu.memref_slice %arg4[%add3A_16] : memref<323584xi32, #tpu.memory_space<hbm>> -> memref<128xi32, #tpu.memory_space<hbm>>
        %dma_wait3A_25 = tpu.memref_slice %arg4[%add3A_16] : memref<323584xi32, #tpu.memory_space<hbm>> -> memref<128xi32, #tpu.memory_space<hbm>>
        tpu.wait_dma2 semaphore(%run_scoped3A : memref<!tpu.dma_semaphore, #tpu.memory_space<semaphore_mem>>) src(%dma_wait3A_25 : memref<128xi32, #tpu.memory_space<hbm>>) dst(%arg8 : memref<128xi32, #tpu.memory_space<vmem>>)
        tpu.yield
      }) : () -> ()
      "tpu.region"() ({
        %run_scoped3A = tpu.sem_alloc : memref<!tpu.dma_semaphore, #tpu.memory_space<semaphore_mem>>
        %dma_start3A_22 = tpu.memref_slice %arg3[%add3A_16] : memref<323584xi32, #tpu.memory_space<hbm>> -> memref<128xi32, #tpu.memory_space<hbm>>
        %dma_start3A_23 = tpu.memref_slice %arg3[%add3A_16] : memref<323584xi32, #tpu.memory_space<hbm>> -> memref<128xi32, #tpu.memory_space<hbm>>
        tpu.enqueue_dma source(%dma_start3A_23 : memref<128xi32, #tpu.memory_space<hbm>>) target(%arg7 : memref<128xi32, #tpu.memory_space<vmem>>) target_semaphore(%run_scoped3A : memref<!tpu.dma_semaphore, #tpu.memory_space<semaphore_mem>>)
        %dma_wait3A_24 = tpu.memref_slice %arg3[%add3A_16] : memref<323584xi32, #tpu.memory_space<hbm>> -> memref<128xi32, #tpu.memory_space<hbm>>
        %dma_wait3A_25 = tpu.memref_slice %arg3[%add3A_16] : memref<323584xi32, #tpu.memory_space<hbm>> -> memref<128xi32, #tpu.memory_space<hbm>>
        tpu.wait_dma2 semaphore(%run_scoped3A : memref<!tpu.dma_semaphore, #tpu.memory_space<semaphore_mem>>) src(%dma_wait3A_25 : memref<128xi32, #tpu.memory_space<hbm>>) dst(%arg7 : memref<128xi32, #tpu.memory_space<vmem>>)
        tpu.yield
      }) : () -> ()
      %dma_start3A = arith.constant 0 : i32
      %dma_start3A_17 = arith.constant 0 : i32
      %dma_start3A_18 = tpu.memref_slice %arg2[%dma_start3A, %dma_start3A_17] : memref<10000x128xf32, #tpu.memory_space<hbm>> -> memref<10000x128xf32, #tpu.memory_space<hbm>>
      tpu.enqueue_indirect_dma source(%dma_start3A_18 : memref<10000x128xf32, #tpu.memory_space<hbm>>) target(%arg9 : memref<128x128xf32, #tpu.memory_space<vmem>>) offsets(%arg7 : memref<128xi32, #tpu.memory_space<vmem>>) semaphore(%arg11 : memref<!tpu.dma_semaphore, #tpu.memory_space<semaphore_mem>>)
      %dma_wait3A = arith.constant 0 : i32
      %dma_wait3A_19 = arith.constant 0 : i32
      %dma_wait3A_20 = tpu.memref_slice %arg2[%dma_wait3A, %dma_wait3A_19] : memref<10000x128xf32, #tpu.memory_space<hbm>> -> memref<10000x128xf32, #tpu.memory_space<hbm>>
      tpu.wait_indirect_dma semaphore(%arg11 : memref<!tpu.dma_semaphore, #tpu.memory_space<semaphore_mem>>) src(%dma_wait3A_20 : memref<10000x128xf32, #tpu.memory_space<hbm>>) dst(%arg9 : memref<128x128xf32, #tpu.memory_space<vmem>>)
      "tpu.region"() ({
        %run_scoped3A = tpu.sem_alloc : memref<!tpu.dma_semaphore, #tpu.memory_space<semaphore_mem>>
        %dma_start3A_22 = arith.constant 0 : i32
        %dma_start3A_23 = arith.constant 0 : i32
        %dma_start3A_24 = tpu.memref_slice %arg10[%dma_start3A_22, %dma_start3A_23] : memref<10240x128xf32, #tpu.memory_space<vmem_shared>> -> memref<10240x128xf32, #tpu.memory_space<vmem_shared>>
        tpu.enqueue_indirect_dma source(%arg9 : memref<128x128xf32, #tpu.memory_space<vmem>>) target(%dma_start3A_24 : memref<10240x128xf32, #tpu.memory_space<vmem_shared>>) offsets(%arg8 : memref<128xi32, #tpu.memory_space<vmem>>) semaphore(%run_scoped3A : memref<!tpu.dma_semaphore, #tpu.memory_space<semaphore_mem>>) {add = true}
        %dma_wait3A_25 = arith.constant 0 : i32
        %dma_wait3A_26 = arith.constant 0 : i32
        %dma_wait3A_27 = tpu.memref_slice %arg10[%dma_wait3A_25, %dma_wait3A_26] : memref<10240x128xf32, #tpu.memory_space<vmem_shared>> -> memref<10240x128xf32, #tpu.memory_space<vmem_shared>>
        tpu.wait_indirect_dma semaphore(%run_scoped3A : memref<!tpu.dma_semaphore, #tpu.memory_space<semaphore_mem>>) src(%arg9 : memref<128x128xf32, #tpu.memory_space<vmem>>) dst(%dma_wait3A_27 : memref<10240x128xf32, #tpu.memory_space<vmem_shared>>)
        tpu.yield
      }) : () -> ()
      %scan3A_21 = arith.constant 0 : i32
      scf.yield %scan3A_21 : i32
    }
    %scan3A_10 = arith.constant 79 : i32
    %barrier3A_11 = arith.constant 0 : index
    tpu.barrier barrier_id(%barrier3A_11)
    "tpu.region"() ({
      %run_scoped3A = tpu.sem_alloc : memref<!tpu.dma_semaphore, #tpu.memory_space<semaphore_mem>>
      %dma_start3A = arith.constant 0 : i32
      %dma_start3A_12 = tpu.memref_slice %arg6[%arg0, %mul3A_2, %dma_start3A] : memref<2x10240x128xf32, #tpu.memory_space<hbm>> -> memref<1x640x128xf32, #tpu.memory_space<hbm>>
      %dma_start3A_13 = tpu.memref_squeeze %dma_start3A_12 : memref<1x640x128xf32, #tpu.memory_space<hbm>> -> memref<640x128xf32, #tpu.memory_space<hbm>>
      %dma_start3A_14 = arith.constant 0 : i32
      %dma_start3A_15 = tpu.memref_slice %arg10[%mul3A_2, %dma_start3A_14] : memref<10240x128xf32, #tpu.memory_space<vmem_shared>> -> memref<640x128xf32, #tpu.memory_space<vmem_shared>>
      tpu.enqueue_dma source(%dma_start3A_15 : memref<640x128xf32, #tpu.memory_space<vmem_shared>>) target(%dma_start3A_13 : memref<640x128xf32, #tpu.memory_space<hbm>>) target_semaphore(%run_scoped3A : memref<!tpu.dma_semaphore, #tpu.memory_space<semaphore_mem>>)
      %dma_wait3A = arith.constant 0 : i32
      %dma_wait3A_16 = tpu.memref_slice %arg6[%arg0, %mul3A_2, %dma_wait3A] : memref<2x10240x128xf32, #tpu.memory_space<hbm>> -> memref<1x640x128xf32, #tpu.memory_space<hbm>>
      %dma_wait3A_17 = tpu.memref_squeeze %dma_wait3A_16 : memref<1x640x128xf32, #tpu.memory_space<hbm>> -> memref<640x128xf32, #tpu.memory_space<hbm>>
      %dma_wait3A_18 = arith.constant 0 : i32
      %dma_wait3A_19 = tpu.memref_slice %arg10[%mul3A_2, %dma_wait3A_18] : memref<10240x128xf32, #tpu.memory_space<vmem_shared>> -> memref<640x128xf32, #tpu.memory_space<vmem_shared>>
      tpu.wait_dma2 semaphore(%run_scoped3A : memref<!tpu.dma_semaphore, #tpu.memory_space<semaphore_mem>>) src(%dma_wait3A_19 : memref<640x128xf32, #tpu.memory_space<vmem_shared>>) dst(%dma_wait3A_17 : memref<640x128xf32, #tpu.memory_space<hbm>>)
      tpu.yield
    }) : () -> ()
    return
  }
}

#map = affine_map<(d0, d1) -> (0, 0)>
#map1 = affine_map<(d0, d1) -> (0)>
#map2 = affine_map<(d0, d1) -> (0, 0, 0)>
module attributes {stable_mosaic.version = 14 : i64} {
  func.func @k(%arg0: i32, %arg1: i32, %arg2: memref<10000x128xf32, #tpu.memory_space<hbm>>, %arg3: memref<323584xi32, #tpu.memory_space<hbm>>, %arg4: memref<323584xi32, #tpu.memory_space<hbm>>, %arg5: memref<10240x128xf32, #tpu.memory_space<hbm>>, %arg6: memref<2x10240x128xf32, #tpu.memory_space<hbm>>, %arg7: memref<128xi32, #tpu.memory_space<vmem>>, %arg8: memref<128xi32, #tpu.memory_space<vmem>>, %arg9: memref<128x128xf32, #tpu.memory_space<vmem>>, %arg10: memref<10240x128xf32, #tpu.memory_space<vmem_shared>>, %arg11: memref<!tpu.dma_semaphore, #tpu.memory_space<semaphore_mem>>) attributes {dimension_semantics = [#tpu.dimension_semantics<core_parallel>, #tpu.dimension_semantics<subcore_parallel>], iteration_bounds = array<i64: 2, 16>, scalar_prefetch = 0 : i64, scratch_operands = 5 : i64, tpu.core_type = #tpu.core_type<sc_vector_subcore>, window_params = [{transform_indices = #map}, {transform_indices = #map1}, {transform_indices = #map1}, {transform_indices = #map}, {transform_indices = #map2}]} {
    %mul3A = arith.constant 2 : i32
    %mul3A_0 = arith.muli %arg1, %mul3A : i32
    %add3A = arith.addi %mul3A_0, %arg0 : i32
    %mul3A_1 = arith.constant 640 : i32
    %mul3A_2 = arith.muli %arg1, %mul3A_1 : i32
    "tpu.region"() ({
      %run_scoped3A = tpu.sem_alloc : memref<!tpu.dma_semaphore, #tpu.memory_space<semaphore_mem>>
      %dma_start3A = arith.constant 0 : i32
      %dma_start3A_12 = tpu.memref_slice %arg10[%mul3A_2, %dma_start3A] : memref<10240x128xf32, #tpu.memory_space<vmem_shared>> -> memref<640x128xf32, #tpu.memory_space<vmem_shared>>
      %dma_start3A_13 = arith.constant 0 : i32
      %dma_start3A_14 = tpu.memref_slice %arg5[%mul3A_2, %dma_start3A_13] : memref<10240x128xf32, #tpu.memory_space<hbm>> -> memref<640x128xf32, #tpu.memory_space<hbm>>
      tpu.enqueue_dma source(%dma_start3A_14 : memref<640x128xf32, #tpu.memory_space<hbm>>) target(%dma_start3A_12 : memref<640x128xf32, #tpu.memory_space<vmem_shared>>) target_semaphore(%run_scoped3A : memref<!tpu.dma_semaphore, #tpu.memory_space<semaphore_mem>>)
      %dma_wait3A = arith.constant 0 : i32
      %dma_wait3A_15 = tpu.memref_slice %arg10[%mul3A_2, %dma_wait3A] : memref<10240x128xf32, #tpu.memory_space<vmem_shared>> -> memref<640x128xf32, #tpu.memory_space<vmem_shared>>
      %dma_wait3A_16 = arith.constant 0 : i32
      %dma_wait3A_17 = tpu.memref_slice %arg5[%mul3A_2, %dma_wait3A_16] : memref<10240x128xf32, #tpu.memory_space<hbm>> -> memref<640x128xf32, #tpu.memory_space<hbm>>
      tpu.wait_dma2 semaphore(%run_scoped3A : memref<!tpu.dma_semaphore, #tpu.memory_space<semaphore_mem>>) src(%dma_wait3A_17 : memref<640x128xf32, #tpu.memory_space<hbm>>) dst(%dma_wait3A_15 : memref<640x128xf32, #tpu.memory_space<vmem_shared>>)
      tpu.yield
    }) : () -> ()
    %barrier3A = arith.constant 0 : index
    tpu.barrier barrier_id(%barrier3A)
    %mul3A_3 = arith.constant 10112 : i32
    %mul3A_4 = arith.muli %add3A, %mul3A_3 : i32
    %scan3A = arith.constant 0 : i32
    %scan3A_5 = arith.constant 0 : i32
    %scan3A_6 = arith.constant 79 : i32
    %scan3A_7 = arith.addi %scan3A_5, %scan3A_6 : i32
    %scan3A_8 = arith.constant 1 : i32
    %scan3A_9 = scf.for %scan3A_12 = %scan3A_5 to %scan3A_7 step %scan3A_8 iter_args(%scan3A_13 = %scan3A) -> (i32)  : i32 {
      %mul3A_14 = arith.constant 128 : i32
      %mul3A_15 = arith.muli %scan3A_12, %mul3A_14 : i32
      %add3A_16 = arith.addi %mul3A_4, %mul3A_15 : i32
      "tpu.region"() ({
        %run_scoped3A = tpu.sem_alloc : memref<!tpu.dma_semaphore, #tpu.memory_space<semaphore_mem>>
        %dma_start3A_22 = tpu.memref_slice %arg4[%add3A_16] : memref<323584xi32, #tpu.memory_space<hbm>> -> memref<128xi32, #tpu.memory_space<hbm>>
        %dma_start3A_23 = tpu.memref_slice %arg4[%add3A_16] : memref<323584xi32, #tpu.memory_space<hbm>> -> memref<128xi32, #tpu.memory_space<hbm>>
        tpu.enqueue_dma source(%dma_start3A_23 : memref<128xi32, #tpu.memory_space<hbm>>) target(%arg8 : memref<128xi32, #tpu.memory_space<vmem>>) target_semaphore(%run_scoped3A : memref<!tpu.dma_semaphore, #tpu.memory_space<semaphore_mem>>)
        %dma_wait3A_24 = tpu.memref_slice %arg4[%add3A_16] : memref<323584xi32, #tpu.memory_space<hbm>> -> memref<128xi32, #tpu.memory_space<hbm>>
        %dma_wait3A_25 = tpu.memref_slice %arg4[%add3A_16] : memref<323584xi32, #tpu.memory_space<hbm>> -> memref<128xi32, #tpu.memory_space<hbm>>
        tpu.wait_dma2 semaphore(%run_scoped3A : memref<!tpu.dma_semaphore, #tpu.memory_space<semaphore_mem>>) src(%dma_wait3A_25 : memref<128xi32, #tpu.memory_space<hbm>>) dst(%arg8 : memref<128xi32, #tpu.memory_space<vmem>>)
        tpu.yield
      }) : () -> ()
      "tpu.region"() ({
        %run_scoped3A = tpu.sem_alloc : memref<!tpu.dma_semaphore, #tpu.memory_space<semaphore_mem>>
        %dma_start3A_22 = tpu.memref_slice %arg3[%add3A_16] : memref<323584xi32, #tpu.memory_space<hbm>> -> memref<128xi32, #tpu.memory_space<hbm>>
        %dma_start3A_23 = tpu.memref_slice %arg3[%add3A_16] : memref<323584xi32, #tpu.memory_space<hbm>> -> memref<128xi32, #tpu.memory_space<hbm>>
        tpu.enqueue_dma source(%dma_start3A_23 : memref<128xi32, #tpu.memory_space<hbm>>) target(%arg7 : memref<128xi32, #tpu.memory_space<vmem>>) target_semaphore(%run_scoped3A : memref<!tpu.dma_semaphore, #tpu.memory_space<semaphore_mem>>)
        %dma_wait3A_24 = tpu.memref_slice %arg3[%add3A_16] : memref<323584xi32, #tpu.memory_space<hbm>> -> memref<128xi32, #tpu.memory_space<hbm>>
        %dma_wait3A_25 = tpu.memref_slice %arg3[%add3A_16] : memref<323584xi32, #tpu.memory_space<hbm>> -> memref<128xi32, #tpu.memory_space<hbm>>
        tpu.wait_dma2 semaphore(%run_scoped3A : memref<!tpu.dma_semaphore, #tpu.memory_space<semaphore_mem>>) src(%dma_wait3A_25 : memref<128xi32, #tpu.memory_space<hbm>>) dst(%arg7 : memref<128xi32, #tpu.memory_space<vmem>>)
        tpu.yield
      }) : () -> ()
      %dma_start3A = arith.constant 0 : i32
      %dma_start3A_17 = arith.constant 0 : i32
      %dma_start3A_18 = tpu.memref_slice %arg2[%dma_start3A, %dma_start3A_17] : memref<10000x128xf32, #tpu.memory_space<hbm>> -> memref<10000x128xf32, #tpu.memory_space<hbm>>
      tpu.enqueue_indirect_dma source(%dma_start3A_18 : memref<10000x128xf32, #tpu.memory_space<hbm>>) target(%arg9 : memref<128x128xf32, #tpu.memory_space<vmem>>) offsets(%arg7 : memref<128xi32, #tpu.memory_space<vmem>>) semaphore(%arg11 : memref<!tpu.dma_semaphore, #tpu.memory_space<semaphore_mem>>)
      %dma_wait3A = arith.constant 0 : i32
      %dma_wait3A_19 = arith.constant 0 : i32
      %dma_wait3A_20 = tpu.memref_slice %arg2[%dma_wait3A, %dma_wait3A_19] : memref<10000x128xf32, #tpu.memory_space<hbm>> -> memref<10000x128xf32, #tpu.memory_space<hbm>>
      tpu.wait_indirect_dma semaphore(%arg11 : memref<!tpu.dma_semaphore, #tpu.memory_space<semaphore_mem>>) src(%dma_wait3A_20 : memref<10000x128xf32, #tpu.memory_space<hbm>>) dst(%arg9 : memref<128x128xf32, #tpu.memory_space<vmem>>)
      "tpu.region"() ({
        %run_scoped3A = tpu.sem_alloc : memref<!tpu.dma_semaphore, #tpu.memory_space<semaphore_mem>>
        %dma_start3A_22 = arith.constant 0 : i32
        %dma_start3A_23 = arith.constant 0 : i32
        %dma_start3A_24 = tpu.memref_slice %arg10[%dma_start3A_22, %dma_start3A_23] : memref<10240x128xf32, #tpu.memory_space<vmem_shared>> -> memref<10240x128xf32, #tpu.memory_space<vmem_shared>>
        tpu.enqueue_indirect_dma source(%arg9 : memref<128x128xf32, #tpu.memory_space<vmem>>) target(%dma_start3A_24 : memref<10240x128xf32, #tpu.memory_space<vmem_shared>>) offsets(%arg8 : memref<128xi32, #tpu.memory_space<vmem>>) semaphore(%run_scoped3A : memref<!tpu.dma_semaphore, #tpu.memory_space<semaphore_mem>>) {add = true}
        %dma_wait3A_25 = arith.constant 0 : i32
        %dma_wait3A_26 = arith.constant 0 : i32
        %dma_wait3A_27 = tpu.memref_slice %arg10[%dma_wait3A_25, %dma_wait3A_26] : memref<10240x128xf32, #tpu.memory_space<vmem_shared>> -> memref<10240x128xf32, #tpu.memory_space<vmem_shared>>
        tpu.wait_indirect_dma semaphore(%run_scoped3A : memref<!tpu.dma_semaphore, #tpu.memory_space<semaphore_mem>>) src(%arg9 : memref<128x128xf32, #tpu.memory_space<vmem>>) dst(%dma_wait3A_27 : memref<10240x128xf32, #tpu.memory_space<vmem_shared>>)
        tpu.yield
      }) : () -> ()
      %scan3A_21 = arith.constant 0 : i32
      scf.yield %scan3A_21 : i32
    }
    %scan3A_10 = arith.constant 79 : i32
    %barrier3A_11 = arith.constant 0 : index
    tpu.barrier barrier_id(%barrier3A_11)
    "tpu.region"() ({
      %run_scoped3A = tpu.sem_alloc : memref<!tpu.dma_semaphore, #tpu.memory_space<semaphore_mem>>
      %dma_start3A = arith.constant 0 : i32
      %dma_start3A_12 = tpu.memref_slice %arg6[%arg0, %mul3A_2, %dma_start3A] : memref<2x10240x128xf32, #tpu.memory_space<hbm>> -> memref<1x640x128xf32, #tpu.memory_space<hbm>>
      %dma_start3A_13 = tpu.memref_squeeze %dma_start3A_12 : memref<1x640x128xf32, #tpu.memory_space<hbm>> -> memref<640x128xf32, #tpu.memory_space<hbm>>
      %dma_start3A_14 = arith.constant 0 : i32
      %dma_start3A_15 = tpu.memref_slice %arg10[%mul3A_2, %dma_start3A_14] : memref<10240x128xf32, #tpu.memory_space<vmem_shared>> -> memref<640x128xf32, #tpu.memory_space<vmem_shared>>
      tpu.enqueue_dma source(%dma_start3A_15 : memref<640x128xf32, #tpu.memory_space<vmem_shared>>) target(%dma_start3A_13 : memref<640x128xf32, #tpu.memory_space<hbm>>) target_semaphore(%run_scoped3A : memref<!tpu.dma_semaphore, #tpu.memory_space<semaphore_mem>>)
      %dma_wait3A = arith.constant 0 : i32
      %dma_wait3A_16 = tpu.memref_slice %arg6[%arg0, %mul3A_2, %dma_wait3A] : memref<2x10240x128xf32, #tpu.memory_space<hbm>> -> memref<1x640x128xf32, #tpu.memory_space<hbm>>
      %dma_wait3A_17 = tpu.memref_squeeze %dma_wait3A_16 : memref<1x640x128xf32, #tpu.memory_space<hbm>> -> memref<640x128xf32, #tpu.memory_space<hbm>>
      %dma_wait3A_18 = arith.constant 0 : i32
      %dma_wait3A_19 = tpu.memref_slice %arg10[%mul3A_2, %dma_wait3A_18] : memref<10240x128xf32, #tpu.memory_space<vmem_shared>> -> memref<640x128xf32, #tpu.memory_space<vmem_shared>>
      tpu.wait_dma2 semaphore(%run_scoped3A : memref<!tpu.dma_semaphore, #tpu.memory_space<semaphore_mem>>) src(%dma_wait3A_19 : memref<640x128xf32, #tpu.memory_space<vmem_shared>>) dst(%dma_wait3A_17 : memref<640x128xf32, #tpu.memory_space<hbm>>)
      tpu.yield
    }) : () -> ()
    return
  }
}

#map = affine_map<(d0, d1) -> (0, 0)>
#map1 = affine_map<(d0, d1) -> (0)>
#map2 = affine_map<(d0, d1) -> (0, 0, 0)>
module attributes {stable_mosaic.version = 14 : i64} {
  func.func @k(%arg0: i32, %arg1: i32, %arg2: memref<10000x128xf32, #tpu.memory_space<hbm>>, %arg3: memref<323584xi32, #tpu.memory_space<hbm>>, %arg4: memref<323584xi32, #tpu.memory_space<hbm>>, %arg5: memref<10240x128xf32, #tpu.memory_space<hbm>>, %arg6: memref<2x10240x128xf32, #tpu.memory_space<hbm>>, %arg7: memref<128xi32, #tpu.memory_space<vmem>>, %arg8: memref<128xi32, #tpu.memory_space<vmem>>, %arg9: memref<128x128xf32, #tpu.memory_space<vmem>>, %arg10: memref<10240x128xf32, #tpu.memory_space<vmem_shared>>, %arg11: memref<!tpu.dma_semaphore, #tpu.memory_space<semaphore_mem>>) attributes {dimension_semantics = [#tpu.dimension_semantics<core_parallel>, #tpu.dimension_semantics<subcore_parallel>], iteration_bounds = array<i64: 2, 16>, scalar_prefetch = 0 : i64, scratch_operands = 5 : i64, tpu.core_type = #tpu.core_type<sc_vector_subcore>, window_params = [{transform_indices = #map}, {transform_indices = #map1}, {transform_indices = #map1}, {transform_indices = #map}, {transform_indices = #map2}]} {
    %mul3A = arith.constant 2 : i32
    %mul3A_0 = arith.muli %arg1, %mul3A : i32
    %add3A = arith.addi %mul3A_0, %arg0 : i32
    %mul3A_1 = arith.constant 640 : i32
    %mul3A_2 = arith.muli %arg1, %mul3A_1 : i32
    "tpu.region"() ({
      %run_scoped3A = tpu.sem_alloc : memref<!tpu.dma_semaphore, #tpu.memory_space<semaphore_mem>>
      %dma_start3A = arith.constant 0 : i32
      %dma_start3A_12 = tpu.memref_slice %arg10[%mul3A_2, %dma_start3A] : memref<10240x128xf32, #tpu.memory_space<vmem_shared>> -> memref<640x128xf32, #tpu.memory_space<vmem_shared>>
      %dma_start3A_13 = arith.constant 0 : i32
      %dma_start3A_14 = tpu.memref_slice %arg5[%mul3A_2, %dma_start3A_13] : memref<10240x128xf32, #tpu.memory_space<hbm>> -> memref<640x128xf32, #tpu.memory_space<hbm>>
      tpu.enqueue_dma source(%dma_start3A_14 : memref<640x128xf32, #tpu.memory_space<hbm>>) target(%dma_start3A_12 : memref<640x128xf32, #tpu.memory_space<vmem_shared>>) target_semaphore(%run_scoped3A : memref<!tpu.dma_semaphore, #tpu.memory_space<semaphore_mem>>)
      %dma_wait3A = arith.constant 0 : i32
      %dma_wait3A_15 = tpu.memref_slice %arg10[%mul3A_2, %dma_wait3A] : memref<10240x128xf32, #tpu.memory_space<vmem_shared>> -> memref<640x128xf32, #tpu.memory_space<vmem_shared>>
      %dma_wait3A_16 = arith.constant 0 : i32
      %dma_wait3A_17 = tpu.memref_slice %arg5[%mul3A_2, %dma_wait3A_16] : memref<10240x128xf32, #tpu.memory_space<hbm>> -> memref<640x128xf32, #tpu.memory_space<hbm>>
      tpu.wait_dma2 semaphore(%run_scoped3A : memref<!tpu.dma_semaphore, #tpu.memory_space<semaphore_mem>>) src(%dma_wait3A_17 : memref<640x128xf32, #tpu.memory_space<hbm>>) dst(%dma_wait3A_15 : memref<640x128xf32, #tpu.memory_space<vmem_shared>>)
      tpu.yield
    }) : () -> ()
    %barrier3A = arith.constant 0 : index
    tpu.barrier barrier_id(%barrier3A)
    %mul3A_3 = arith.constant 10112 : i32
    %mul3A_4 = arith.muli %add3A, %mul3A_3 : i32
    %scan3A = arith.constant 0 : i32
    %scan3A_5 = arith.constant 0 : i32
    %scan3A_6 = arith.constant 79 : i32
    %scan3A_7 = arith.addi %scan3A_5, %scan3A_6 : i32
    %scan3A_8 = arith.constant 1 : i32
    %scan3A_9 = scf.for %scan3A_12 = %scan3A_5 to %scan3A_7 step %scan3A_8 iter_args(%scan3A_13 = %scan3A) -> (i32)  : i32 {
      %mul3A_14 = arith.constant 128 : i32
      %mul3A_15 = arith.muli %scan3A_12, %mul3A_14 : i32
      %add3A_16 = arith.addi %mul3A_4, %mul3A_15 : i32
      "tpu.region"() ({
        %run_scoped3A = tpu.sem_alloc : memref<!tpu.dma_semaphore, #tpu.memory_space<semaphore_mem>>
        %dma_start3A_22 = tpu.memref_slice %arg4[%add3A_16] : memref<323584xi32, #tpu.memory_space<hbm>> -> memref<128xi32, #tpu.memory_space<hbm>>
        %dma_start3A_23 = tpu.memref_slice %arg4[%add3A_16] : memref<323584xi32, #tpu.memory_space<hbm>> -> memref<128xi32, #tpu.memory_space<hbm>>
        tpu.enqueue_dma source(%dma_start3A_23 : memref<128xi32, #tpu.memory_space<hbm>>) target(%arg8 : memref<128xi32, #tpu.memory_space<vmem>>) target_semaphore(%run_scoped3A : memref<!tpu.dma_semaphore, #tpu.memory_space<semaphore_mem>>)
        %dma_wait3A_24 = tpu.memref_slice %arg4[%add3A_16] : memref<323584xi32, #tpu.memory_space<hbm>> -> memref<128xi32, #tpu.memory_space<hbm>>
        %dma_wait3A_25 = tpu.memref_slice %arg4[%add3A_16] : memref<323584xi32, #tpu.memory_space<hbm>> -> memref<128xi32, #tpu.memory_space<hbm>>
        tpu.wait_dma2 semaphore(%run_scoped3A : memref<!tpu.dma_semaphore, #tpu.memory_space<semaphore_mem>>) src(%dma_wait3A_25 : memref<128xi32, #tpu.memory_space<hbm>>) dst(%arg8 : memref<128xi32, #tpu.memory_space<vmem>>)
        tpu.yield
      }) : () -> ()
      "tpu.region"() ({
        %run_scoped3A = tpu.sem_alloc : memref<!tpu.dma_semaphore, #tpu.memory_space<semaphore_mem>>
        %dma_start3A_22 = tpu.memref_slice %arg3[%add3A_16] : memref<323584xi32, #tpu.memory_space<hbm>> -> memref<128xi32, #tpu.memory_space<hbm>>
        %dma_start3A_23 = tpu.memref_slice %arg3[%add3A_16] : memref<323584xi32, #tpu.memory_space<hbm>> -> memref<128xi32, #tpu.memory_space<hbm>>
        tpu.enqueue_dma source(%dma_start3A_23 : memref<128xi32, #tpu.memory_space<hbm>>) target(%arg7 : memref<128xi32, #tpu.memory_space<vmem>>) target_semaphore(%run_scoped3A : memref<!tpu.dma_semaphore, #tpu.memory_space<semaphore_mem>>)
        %dma_wait3A_24 = tpu.memref_slice %arg3[%add3A_16] : memref<323584xi32, #tpu.memory_space<hbm>> -> memref<128xi32, #tpu.memory_space<hbm>>
        %dma_wait3A_25 = tpu.memref_slice %arg3[%add3A_16] : memref<323584xi32, #tpu.memory_space<hbm>> -> memref<128xi32, #tpu.memory_space<hbm>>
        tpu.wait_dma2 semaphore(%run_scoped3A : memref<!tpu.dma_semaphore, #tpu.memory_space<semaphore_mem>>) src(%dma_wait3A_25 : memref<128xi32, #tpu.memory_space<hbm>>) dst(%arg7 : memref<128xi32, #tpu.memory_space<vmem>>)
        tpu.yield
      }) : () -> ()
      %dma_start3A = arith.constant 0 : i32
      %dma_start3A_17 = arith.constant 0 : i32
      %dma_start3A_18 = tpu.memref_slice %arg2[%dma_start3A, %dma_start3A_17] : memref<10000x128xf32, #tpu.memory_space<hbm>> -> memref<10000x128xf32, #tpu.memory_space<hbm>>
      tpu.enqueue_indirect_dma source(%dma_start3A_18 : memref<10000x128xf32, #tpu.memory_space<hbm>>) target(%arg9 : memref<128x128xf32, #tpu.memory_space<vmem>>) offsets(%arg7 : memref<128xi32, #tpu.memory_space<vmem>>) semaphore(%arg11 : memref<!tpu.dma_semaphore, #tpu.memory_space<semaphore_mem>>)
      %dma_wait3A = arith.constant 0 : i32
      %dma_wait3A_19 = arith.constant 0 : i32
      %dma_wait3A_20 = tpu.memref_slice %arg2[%dma_wait3A, %dma_wait3A_19] : memref<10000x128xf32, #tpu.memory_space<hbm>> -> memref<10000x128xf32, #tpu.memory_space<hbm>>
      tpu.wait_indirect_dma semaphore(%arg11 : memref<!tpu.dma_semaphore, #tpu.memory_space<semaphore_mem>>) src(%dma_wait3A_20 : memref<10000x128xf32, #tpu.memory_space<hbm>>) dst(%arg9 : memref<128x128xf32, #tpu.memory_space<vmem>>)
      "tpu.region"() ({
        %run_scoped3A = tpu.sem_alloc : memref<!tpu.dma_semaphore, #tpu.memory_space<semaphore_mem>>
        %dma_start3A_22 = arith.constant 0 : i32
        %dma_start3A_23 = arith.constant 0 : i32
        %dma_start3A_24 = tpu.memref_slice %arg10[%dma_start3A_22, %dma_start3A_23] : memref<10240x128xf32, #tpu.memory_space<vmem_shared>> -> memref<10240x128xf32, #tpu.memory_space<vmem_shared>>
        tpu.enqueue_indirect_dma source(%arg9 : memref<128x128xf32, #tpu.memory_space<vmem>>) target(%dma_start3A_24 : memref<10240x128xf32, #tpu.memory_space<vmem_shared>>) offsets(%arg8 : memref<128xi32, #tpu.memory_space<vmem>>) semaphore(%run_scoped3A : memref<!tpu.dma_semaphore, #tpu.memory_space<semaphore_mem>>) {add = true}
        %dma_wait3A_25 = arith.constant 0 : i32
        %dma_wait3A_26 = arith.constant 0 : i32
        %dma_wait3A_27 = tpu.memref_slice %arg10[%dma_wait3A_25, %dma_wait3A_26] : memref<10240x128xf32, #tpu.memory_space<vmem_shared>> -> memref<10240x128xf32, #tpu.memory_space<vmem_shared>>
        tpu.wait_indirect_dma semaphore(%run_scoped3A : memref<!tpu.dma_semaphore, #tpu.memory_space<semaphore_mem>>) src(%arg9 : memref<128x128xf32, #tpu.memory_space<vmem>>) dst(%dma_wait3A_27 : memref<10240x128xf32, #tpu.memory_space<vmem_shared>>)
        tpu.yield
      }) : () -> ()
      %scan3A_21 = arith.constant 0 : i32
      scf.yield %scan3A_21 : i32
    }
    %scan3A_10 = arith.constant 79 : i32
    %barrier3A_11 = arith.constant 0 : index
    tpu.barrier barrier_id(%barrier3A_11)
    "tpu.region"() ({
      %run_scoped3A = tpu.sem_alloc : memref<!tpu.dma_semaphore, #tpu.memory_space<semaphore_mem>>
      %dma_start3A = arith.constant 0 : i32
      %dma_start3A_12 = tpu.memref_slice %arg6[%arg0, %mul3A_2, %dma_start3A] : memref<2x10240x128xf32, #tpu.memory_space<hbm>> -> memref<1x640x128xf32, #tpu.memory_space<hbm>>
      %dma_start3A_13 = tpu.memref_squeeze %dma_start3A_12 : memref<1x640x128xf32, #tpu.memory_space<hbm>> -> memref<640x128xf32, #tpu.memory_space<hbm>>
      %dma_start3A_14 = arith.constant 0 : i32
      %dma_start3A_15 = tpu.memref_slice %arg10[%mul3A_2, %dma_start3A_14] : memref<10240x128xf32, #tpu.memory_space<vmem_shared>> -> memref<640x128xf32, #tpu.memory_space<vmem_shared>>
      tpu.enqueue_dma source(%dma_start3A_15 : memref<640x128xf32, #tpu.memory_space<vmem_shared>>) target(%dma_start3A_13 : memref<640x128xf32, #tpu.memory_space<hbm>>) target_semaphore(%run_scoped3A : memref<!tpu.dma_semaphore, #tpu.memory_space<semaphore_mem>>)
      %dma_wait3A = arith.constant 0 : i32
      %dma_wait3A_16 = tpu.memref_slice %arg6[%arg0, %mul3A_2, %dma_wait3A] : memref<2x10240x128xf32, #tpu.memory_space<hbm>> -> memref<1x640x128xf32, #tpu.memory_space<hbm>>
      %dma_wait3A_17 = tpu.memref_squeeze %dma_wait3A_16 : memref<1x640x128xf32, #tpu.memory_space<hbm>> -> memref<640x128xf32, #tpu.memory_space<hbm>>
      %dma_wait3A_18 = arith.constant 0 : i32
      %dma_wait3A_19 = tpu.memref_slice %arg10[%mul3A_2, %dma_wait3A_18] : memref<10240x128xf32, #tpu.memory_space<vmem_shared>> -> memref<640x128xf32, #tpu.memory_space<vmem_shared>>
      tpu.wait_dma2 semaphore(%run_scoped3A : memref<!tpu.dma_semaphore, #tpu.memory_space<semaphore_mem>>) src(%dma_wait3A_19 : memref<640x128xf32, #tpu.memory_space<vmem_shared>>) dst(%dma_wait3A_17 : memref<640x128xf32, #tpu.memory_space<hbm>>)
      tpu.yield
    }) : () -> ()
    return
  }
}

module attributes {stable_mosaic.version = 14 : i64} {
  func.func @_embed_body(%arg0: memref<10000x1xi32, #tpu.memory_space<vmem>>, %arg1: memref<32x128xf32, #tpu.memory_space<vmem>>, %arg2: memref<10000x128xf32, #tpu.memory_space<vmem>>) attributes {dimension_semantics = [], scalar_prefetch = 0 : i64, scratch_operands = 0 : i64, tpu.core_type = #tpu.core_type<tc>} {
    %get3A = arith.constant 0 : index
    %get3A_0 = arith.constant 0 : index
    %get3A_1 = vector.load %arg0[%get3A, %get3A_0] : memref<10000x1xi32, #tpu.memory_space<vmem>>, vector<10000x1xi32>
    %iota3A = tpu.iota {dimensions = array<i32: 1>} : vector<1x32xi32>
    %eq3A = vector.broadcast %get3A_1 : vector<10000x1xi32> to vector<10000x32xi32>
    %eq3A_2 = vector.broadcast %iota3A : vector<1x32xi32> to vector<10000x32xi32>
    %eq3A_3 = arith.cmpi eq, %eq3A, %eq3A_2 : vector<10000x32xi32>
    %jit3A = arith.constant 1.000000e+00 : f32
    %jit3A_4 = arith.constant 0.000000e+00 : f32
    %broadcast_in_dim3A = vector.broadcast %jit3A : f32 to vector<10000x32xf32>
    %broadcast_in_dim3A_5 = vector.broadcast %jit3A_4 : f32 to vector<10000x32xf32>
    %select_n3A = arith.select %eq3A_3, %broadcast_in_dim3A, %broadcast_in_dim3A_5 : vector<10000x32xi1>, vector<10000x32xf32>
    %get3A_6 = arith.constant 0 : index
    %get3A_7 = arith.constant 0 : index
    %get3A_8 = vector.load %arg1[%get3A_6, %get3A_7] : memref<32x128xf32, #tpu.memory_space<vmem>>, vector<32x128xf32>
    %dot_general3A = arith.constant dense<0.000000e+00> : vector<10000x128xf32>
    %dot_general3A_9 = tpu.matmul %select_n3A, %get3A_8, %dot_general3A {dimension_numbers = #tpu.dot_dimension_numbers<[1], [0], [0], [1], [0, 0, 1, 1], [], []>, precision = #tpu.contract_precision<fp32>, transpose_lhs_hint = false} : vector<10000x32xf32>, vector<32x128xf32>, vector<10000x128xf32> -> vector<10000x128xf32>
    %swap3A = arith.constant 0 : index
    %swap3A_10 = arith.constant 0 : index
    %swap3A_11 = vector.load %arg2[%swap3A, %swap3A_10] : memref<10000x128xf32, #tpu.memory_space<vmem>>, vector<10000x128xf32>
    tpu.vector_store %arg2[%swap3A, %swap3A_10], %dot_general3A_9 {strides = array<i32>} : memref<10000x128xf32, #tpu.memory_space<vmem>>, vector<10000x128xf32>,
    return
  }
}

module attributes {stable_mosaic.version = 14 : i64} {
  func.func @_dense_body(%arg0: memref<10000x128xf32, #tpu.memory_space<vmem>>, %arg1: memref<2x10240x128xf32, #tpu.memory_space<vmem>>, %arg2: memref<2x10240x128xf32, #tpu.memory_space<vmem>>, %arg3: memref<128x128xf32, #tpu.memory_space<vmem>>, %arg4: memref<16x128xf32, #tpu.memory_space<vmem>>, %arg5: memref<1x128xf32, #tpu.memory_space<vmem>>, %arg6: memref<128x128xf32, #tpu.memory_space<vmem>>, %arg7: memref<1x128xf32, #tpu.memory_space<vmem>>, %arg8: memref<1x128xf32, #tpu.memory_space<vmem>>, %arg9: memref<1x128xf32, #tpu.memory_space<vmem>>, %arg10: memref<10000x128xf32, #tpu.memory_space<vmem>>) attributes {dimension_semantics = [], scalar_prefetch = 0 : i64, scratch_operands = 0 : i64, tpu.core_type = #tpu.core_type<tc>} {
    %get3A = arith.constant 0 : index
    %get3A_0 = arith.constant 0 : index
    %get3A_1 = vector.load %arg0[%get3A, %get3A_0] : memref<10000x128xf32, #tpu.memory_space<vmem>>, vector<10000x128xf32>
    %get3A_2 = arith.constant 0 : index
    %get3A_3 = arith.constant 0 : index
    %get3A_4 = arith.constant 0 : index
    %get3A_5 = vector.load %arg1[%get3A_2, %get3A_3, %get3A_4] : memref<2x10240x128xf32, #tpu.memory_space<vmem>>, vector<1x10000x128xf32>
    %get3A_6 = vector.shape_cast %get3A_5 : vector<1x10000x128xf32> to vector<10000x128xf32>
    %add3A = arith.addf %get3A_1, %get3A_6 : vector<10000x128xf32>
    %get3A_7 = arith.constant 1 : index
    %get3A_8 = arith.constant 0 : index
    %get3A_9 = arith.constant 0 : index
    %get3A_10 = vector.load %arg1[%get3A_7, %get3A_8, %get3A_9] : memref<2x10240x128xf32, #tpu.memory_space<vmem>>, vector<1x10000x128xf32>
    %get3A_11 = vector.shape_cast %get3A_10 : vector<1x10000x128xf32> to vector<10000x128xf32>
    %add3A_12 = arith.addf %add3A, %get3A_11 : vector<10000x128xf32>
    %get3A_13 = arith.constant 0 : index
    %get3A_14 = arith.constant 0 : index
    %get3A_15 = arith.constant 0 : index
    %get3A_16 = vector.load %arg2[%get3A_13, %get3A_14, %get3A_15] : memref<2x10240x128xf32, #tpu.memory_space<vmem>>, vector<1x10000x16xf32>
    %get3A_17 = vector.shape_cast %get3A_16 : vector<1x10000x16xf32> to vector<10000x16xf32>
    %get3A_18 = arith.constant 1 : index
    %get3A_19 = arith.constant 0 : index
    %get3A_20 = arith.constant 0 : index
    %get3A_21 = vector.load %arg2[%get3A_18, %get3A_19, %get3A_20] : memref<2x10240x128xf32, #tpu.memory_space<vmem>>, vector<1x10000x16xf32>
    %get3A_22 = vector.shape_cast %get3A_21 : vector<1x10000x16xf32> to vector<10000x16xf32>
    %add3A_23 = arith.addf %get3A_17, %get3A_22 : vector<10000x16xf32>
    %get3A_24 = arith.constant 0 : index
    %get3A_25 = arith.constant 0 : index
    %get3A_26 = vector.load %arg3[%get3A_24, %get3A_25] : memref<128x128xf32, #tpu.memory_space<vmem>>, vector<128x128xf32>
    %convert_element_type3A = arith.truncf %add3A_12 : vector<10000x128xf32> to vector<10000x128xbf16>
    %convert_element_type3A_27 = arith.truncf %get3A_26 : vector<128x128xf32> to vector<128x128xbf16>
    %dot_general3A = arith.constant dense<0.000000e+00> : vector<10000x128xf32>
    %dot_general3A_28 = tpu.matmul %convert_element_type3A, %convert_element_type3A_27, %dot_general3A {dimension_numbers = #tpu.dot_dimension_numbers<[1], [0], [0], [1], [0, 0, 1, 1], [], []>, transpose_lhs_hint = false} : vector<10000x128xbf16>, vector<128x128xbf16>, vector<10000x128xf32> -> vector<10000x128xf32>
    %get3A_29 = arith.constant 0 : index
    %get3A_30 = arith.constant 0 : index
    %get3A_31 = vector.load %arg4[%get3A_29, %get3A_30] : memref<16x128xf32, #tpu.memory_space<vmem>>, vector<16x128xf32>
    %convert_element_type3A_32 = arith.truncf %add3A_23 : vector<10000x16xf32> to vector<10000x16xbf16>
    %convert_element_type3A_33 = arith.truncf %get3A_31 : vector<16x128xf32> to vector<16x128xbf16>
    %dot_general3A_34 = arith.constant dense<0.000000e+00> : vector<10000x128xf32>
    %dot_general3A_35 = tpu.matmul %convert_element_type3A_32, %convert_element_type3A_33, %dot_general3A_34 {dimension_numbers = #tpu.dot_dimension_numbers<[1], [0], [0], [1], [0, 0, 1, 1], [], []>, transpose_lhs_hint = false} : vector<10000x16xbf16>, vector<16x128xbf16>, vector<10000x128xf32> -> vector<10000x128xf32>
    %add3A_36 = arith.addf %dot_general3A_28, %dot_general3A_35 : vector<10000x128xf32>
    %get3A_37 = arith.constant 0 : index
    %get3A_38 = arith.constant 0 : index
    %get3A_39 = vector.load %arg5[%get3A_37, %get3A_38] : memref<1x128xf32, #tpu.memory_space<vmem>>, vector<1x128xf32>
    %add3A_40 = vector.broadcast %get3A_39 : vector<1x128xf32> to vector<10000x128xf32>
    %add3A_41 = arith.addf %add3A_36, %add3A_40 : vector<10000x128xf32>
    %max3A = arith.constant 0.000000e+00 : f32
    %max3A_42 = vector.broadcast %max3A : f32 to vector<10000x128xf32>
    %max3A_43 = arith.maximumf %add3A_41, %max3A_42 : vector<10000x128xf32>
    %get3A_44 = arith.constant 0 : index
    %get3A_45 = arith.constant 0 : index
    %get3A_46 = vector.load %arg6[%get3A_44, %get3A_45] : memref<128x128xf32, #tpu.memory_space<vmem>>, vector<128x128xf32>
    %convert_element_type3A_47 = arith.truncf %max3A_43 : vector<10000x128xf32> to vector<10000x128xbf16>
    %convert_element_type3A_48 = arith.truncf %get3A_46 : vector<128x128xf32> to vector<128x128xbf16>
    %dot_general3A_49 = arith.constant dense<0.000000e+00> : vector<10000x128xf32>
    %dot_general3A_50 = tpu.matmul %convert_element_type3A_47, %convert_element_type3A_48, %dot_general3A_49 {dimension_numbers = #tpu.dot_dimension_numbers<[1], [0], [0], [1], [0, 0, 1, 1], [], []>, transpose_lhs_hint = false} : vector<10000x128xbf16>, vector<128x128xbf16>, vector<10000x128xf32> -> vector<10000x128xf32>
    %get3A_51 = arith.constant 0 : index
    %get3A_52 = arith.constant 0 : index
    %get3A_53 = vector.load %arg7[%get3A_51, %get3A_52] : memref<1x128xf32, #tpu.memory_space<vmem>>, vector<1x128xf32>
    %add3A_54 = vector.broadcast %get3A_53 : vector<1x128xf32> to vector<10000x128xf32>
    %add3A_55 = arith.addf %dot_general3A_50, %add3A_54 : vector<10000x128xf32>
    %reduce_sum3A = arith.constant dense<0.000000e+00> : vector<128xf32>
    %reduce_sum3A_56 = vector.multi_reduction <add>, %add3A_55, %reduce_sum3A [0] : vector<10000x128xf32> to vector<128xf32>
    %broadcast_in_dim3A = vector.shape_cast %reduce_sum3A_56 : vector<128xf32> to vector<1x128xf32>
    %div3A = arith.constant 1.000000e+04 : f32
    %div3A_57 = vector.broadcast %div3A : f32 to vector<1x128xf32>
    %div3A_58 = arith.divf %broadcast_in_dim3A, %div3A_57 : vector<1x128xf32>
    %sub3A = vector.broadcast %div3A_58 : vector<1x128xf32> to vector<10000x128xf32>
    %sub3A_59 = arith.subf %add3A_55, %sub3A : vector<10000x128xf32>
    %integer_pow3A = arith.mulf %sub3A_59, %sub3A_59 : vector<10000x128xf32>
    %reduce_sum3A_60 = arith.constant dense<0.000000e+00> : vector<128xf32>
    %reduce_sum3A_61 = vector.multi_reduction <add>, %integer_pow3A, %reduce_sum3A_60 [0] : vector<10000x128xf32> to vector<128xf32>
    %broadcast_in_dim3A_62 = vector.shape_cast %reduce_sum3A_61 : vector<128xf32> to vector<1x128xf32>
    %div3A_63 = arith.constant 1.000000e+04 : f32
    %div3A_64 = vector.broadcast %div3A_63 : f32 to vector<1x128xf32>
    %div3A_65 = arith.divf %broadcast_in_dim3A_62, %div3A_64 : vector<1x128xf32>
    %sub3A_66 = vector.broadcast %div3A_58 : vector<1x128xf32> to vector<10000x128xf32>
    %sub3A_67 = arith.subf %add3A_55, %sub3A_66 : vector<10000x128xf32>
    %add3A_68 = arith.constant 9.99999974E-6 : f32
    %add3A_69 = vector.broadcast %add3A_68 : f32 to vector<1x128xf32>
    %add3A_70 = arith.addf %div3A_65, %add3A_69 : vector<1x128xf32>
    %rsqrt3A = math.rsqrt %add3A_70 : vector<1x128xf32>
    %mul3A = vector.broadcast %rsqrt3A : vector<1x128xf32> to vector<10000x128xf32>
    %mul3A_71 = arith.mulf %sub3A_67, %mul3A : vector<10000x128xf32>
    %get3A_72 = arith.constant 0 : index
    %get3A_73 = arith.constant 0 : index
    %get3A_74 = vector.load %arg8[%get3A_72, %get3A_73] : memref<1x128xf32, #tpu.memory_space<vmem>>, vector<1x128xf32>
    %mul3A_75 = vector.broadcast %get3A_74 : vector<1x128xf32> to vector<10000x128xf32>
    %mul3A_76 = arith.mulf %mul3A_71, %mul3A_75 : vector<10000x128xf32>
    %get3A_77 = arith.constant 0 : index
    %get3A_78 = arith.constant 0 : index
    %get3A_79 = vector.load %arg9[%get3A_77, %get3A_78] : memref<1x128xf32, #tpu.memory_space<vmem>>, vector<1x128xf32>
    %add3A_80 = vector.broadcast %get3A_79 : vector<1x128xf32> to vector<10000x128xf32>
    %add3A_81 = arith.addf %mul3A_76, %add3A_80 : vector<10000x128xf32>
    %ge3A = arith.constant 0.000000e+00 : f32
    %ge3A_82 = vector.broadcast %ge3A : f32 to vector<10000x128xf32>
    %ge3A_83 = arith.cmpf oge, %add3A_81, %ge3A_82 : vector<10000x128xf32>
    %mul3A_84 = arith.constant 0.00999999977 : f32
    %mul3A_85 = vector.broadcast %mul3A_84 : f32 to vector<10000x128xf32>
    %mul3A_86 = arith.mulf %mul3A_85, %add3A_81 : vector<10000x128xf32>
    %select_n3A = arith.select %ge3A_83, %add3A_81, %mul3A_86 : vector<10000x128xi1>, vector<10000x128xf32>
    %swap3A = arith.constant 0 : index
    %swap3A_87 = arith.constant 0 : index
    %swap3A_88 = vector.load %arg10[%swap3A, %swap3A_87] : memref<10000x128xf32, #tpu.memory_space<vmem>>, vector<10000x128xf32>
    tpu.vector_store %arg10[%swap3A, %swap3A_87], %select_n3A {strides = array<i32>} : memref<10000x128xf32, #tpu.memory_space<vmem>>, vector<10000x128xf32>,
    return
  }
}

module attributes {stable_mosaic.version = 14 : i64} {
  func.func @_dense_body(%arg0: memref<10000x128xf32, #tpu.memory_space<vmem>>, %arg1: memref<2x10240x128xf32, #tpu.memory_space<vmem>>, %arg2: memref<2x10240x128xf32, #tpu.memory_space<vmem>>, %arg3: memref<128x128xf32, #tpu.memory_space<vmem>>, %arg4: memref<16x128xf32, #tpu.memory_space<vmem>>, %arg5: memref<1x128xf32, #tpu.memory_space<vmem>>, %arg6: memref<128x128xf32, #tpu.memory_space<vmem>>, %arg7: memref<1x128xf32, #tpu.memory_space<vmem>>, %arg8: memref<1x128xf32, #tpu.memory_space<vmem>>, %arg9: memref<1x128xf32, #tpu.memory_space<vmem>>, %arg10: memref<10000x128xf32, #tpu.memory_space<vmem>>) attributes {dimension_semantics = [], scalar_prefetch = 0 : i64, scratch_operands = 0 : i64, tpu.core_type = #tpu.core_type<tc>} {
    %get3A = arith.constant 0 : index
    %get3A_0 = arith.constant 0 : index
    %get3A_1 = vector.load %arg0[%get3A, %get3A_0] : memref<10000x128xf32, #tpu.memory_space<vmem>>, vector<10000x128xf32>
    %get3A_2 = arith.constant 0 : index
    %get3A_3 = arith.constant 0 : index
    %get3A_4 = arith.constant 0 : index
    %get3A_5 = vector.load %arg1[%get3A_2, %get3A_3, %get3A_4] : memref<2x10240x128xf32, #tpu.memory_space<vmem>>, vector<1x10000x128xf32>
    %get3A_6 = vector.shape_cast %get3A_5 : vector<1x10000x128xf32> to vector<10000x128xf32>
    %add3A = arith.addf %get3A_1, %get3A_6 : vector<10000x128xf32>
    %get3A_7 = arith.constant 1 : index
    %get3A_8 = arith.constant 0 : index
    %get3A_9 = arith.constant 0 : index
    %get3A_10 = vector.load %arg1[%get3A_7, %get3A_8, %get3A_9] : memref<2x10240x128xf32, #tpu.memory_space<vmem>>, vector<1x10000x128xf32>
    %get3A_11 = vector.shape_cast %get3A_10 : vector<1x10000x128xf32> to vector<10000x128xf32>
    %add3A_12 = arith.addf %add3A, %get3A_11 : vector<10000x128xf32>
    %get3A_13 = arith.constant 0 : index
    %get3A_14 = arith.constant 0 : index
    %get3A_15 = arith.constant 0 : index
    %get3A_16 = vector.load %arg2[%get3A_13, %get3A_14, %get3A_15] : memref<2x10240x128xf32, #tpu.memory_space<vmem>>, vector<1x10000x16xf32>
    %get3A_17 = vector.shape_cast %get3A_16 : vector<1x10000x16xf32> to vector<10000x16xf32>
    %get3A_18 = arith.constant 1 : index
    %get3A_19 = arith.constant 0 : index
    %get3A_20 = arith.constant 0 : index
    %get3A_21 = vector.load %arg2[%get3A_18, %get3A_19, %get3A_20] : memref<2x10240x128xf32, #tpu.memory_space<vmem>>, vector<1x10000x16xf32>
    %get3A_22 = vector.shape_cast %get3A_21 : vector<1x10000x16xf32> to vector<10000x16xf32>
    %add3A_23 = arith.addf %get3A_17, %get3A_22 : vector<10000x16xf32>
    %get3A_24 = arith.constant 0 : index
    %get3A_25 = arith.constant 0 : index
    %get3A_26 = vector.load %arg3[%get3A_24, %get3A_25] : memref<128x128xf32, #tpu.memory_space<vmem>>, vector<128x128xf32>
    %convert_element_type3A = arith.truncf %add3A_12 : vector<10000x128xf32> to vector<10000x128xbf16>
    %convert_element_type3A_27 = arith.truncf %get3A_26 : vector<128x128xf32> to vector<128x128xbf16>
    %dot_general3A = arith.constant dense<0.000000e+00> : vector<10000x128xf32>
    %dot_general3A_28 = tpu.matmul %convert_element_type3A, %convert_element_type3A_27, %dot_general3A {dimension_numbers = #tpu.dot_dimension_numbers<[1], [0], [0], [1], [0, 0, 1, 1], [], []>, transpose_lhs_hint = false} : vector<10000x128xbf16>, vector<128x128xbf16>, vector<10000x128xf32> -> vector<10000x128xf32>
    %get3A_29 = arith.constant 0 : index
    %get3A_30 = arith.constant 0 : index
    %get3A_31 = vector.load %arg4[%get3A_29, %get3A_30] : memref<16x128xf32, #tpu.memory_space<vmem>>, vector<16x128xf32>
    %convert_element_type3A_32 = arith.truncf %add3A_23 : vector<10000x16xf32> to vector<10000x16xbf16>
    %convert_element_type3A_33 = arith.truncf %get3A_31 : vector<16x128xf32> to vector<16x128xbf16>
    %dot_general3A_34 = arith.constant dense<0.000000e+00> : vector<10000x128xf32>
    %dot_general3A_35 = tpu.matmul %convert_element_type3A_32, %convert_element_type3A_33, %dot_general3A_34 {dimension_numbers = #tpu.dot_dimension_numbers<[1], [0], [0], [1], [0, 0, 1, 1], [], []>, transpose_lhs_hint = false} : vector<10000x16xbf16>, vector<16x128xbf16>, vector<10000x128xf32> -> vector<10000x128xf32>
    %add3A_36 = arith.addf %dot_general3A_28, %dot_general3A_35 : vector<10000x128xf32>
    %get3A_37 = arith.constant 0 : index
    %get3A_38 = arith.constant 0 : index
    %get3A_39 = vector.load %arg5[%get3A_37, %get3A_38] : memref<1x128xf32, #tpu.memory_space<vmem>>, vector<1x128xf32>
    %add3A_40 = vector.broadcast %get3A_39 : vector<1x128xf32> to vector<10000x128xf32>
    %add3A_41 = arith.addf %add3A_36, %add3A_40 : vector<10000x128xf32>
    %max3A = arith.constant 0.000000e+00 : f32
    %max3A_42 = vector.broadcast %max3A : f32 to vector<10000x128xf32>
    %max3A_43 = arith.maximumf %add3A_41, %max3A_42 : vector<10000x128xf32>
    %get3A_44 = arith.constant 0 : index
    %get3A_45 = arith.constant 0 : index
    %get3A_46 = vector.load %arg6[%get3A_44, %get3A_45] : memref<128x128xf32, #tpu.memory_space<vmem>>, vector<128x128xf32>
    %convert_element_type3A_47 = arith.truncf %max3A_43 : vector<10000x128xf32> to vector<10000x128xbf16>
    %convert_element_type3A_48 = arith.truncf %get3A_46 : vector<128x128xf32> to vector<128x128xbf16>
    %dot_general3A_49 = arith.constant dense<0.000000e+00> : vector<10000x128xf32>
    %dot_general3A_50 = tpu.matmul %convert_element_type3A_47, %convert_element_type3A_48, %dot_general3A_49 {dimension_numbers = #tpu.dot_dimension_numbers<[1], [0], [0], [1], [0, 0, 1, 1], [], []>, transpose_lhs_hint = false} : vector<10000x128xbf16>, vector<128x128xbf16>, vector<10000x128xf32> -> vector<10000x128xf32>
    %get3A_51 = arith.constant 0 : index
    %get3A_52 = arith.constant 0 : index
    %get3A_53 = vector.load %arg7[%get3A_51, %get3A_52] : memref<1x128xf32, #tpu.memory_space<vmem>>, vector<1x128xf32>
    %add3A_54 = vector.broadcast %get3A_53 : vector<1x128xf32> to vector<10000x128xf32>
    %add3A_55 = arith.addf %dot_general3A_50, %add3A_54 : vector<10000x128xf32>
    %reduce_sum3A = arith.constant dense<0.000000e+00> : vector<128xf32>
    %reduce_sum3A_56 = vector.multi_reduction <add>, %add3A_55, %reduce_sum3A [0] : vector<10000x128xf32> to vector<128xf32>
    %broadcast_in_dim3A = vector.shape_cast %reduce_sum3A_56 : vector<128xf32> to vector<1x128xf32>
    %div3A = arith.constant 1.000000e+04 : f32
    %div3A_57 = vector.broadcast %div3A : f32 to vector<1x128xf32>
    %div3A_58 = arith.divf %broadcast_in_dim3A, %div3A_57 : vector<1x128xf32>
    %sub3A = vector.broadcast %div3A_58 : vector<1x128xf32> to vector<10000x128xf32>
    %sub3A_59 = arith.subf %add3A_55, %sub3A : vector<10000x128xf32>
    %integer_pow3A = arith.mulf %sub3A_59, %sub3A_59 : vector<10000x128xf32>
    %reduce_sum3A_60 = arith.constant dense<0.000000e+00> : vector<128xf32>
    %reduce_sum3A_61 = vector.multi_reduction <add>, %integer_pow3A, %reduce_sum3A_60 [0] : vector<10000x128xf32> to vector<128xf32>
    %broadcast_in_dim3A_62 = vector.shape_cast %reduce_sum3A_61 : vector<128xf32> to vector<1x128xf32>
    %div3A_63 = arith.constant 1.000000e+04 : f32
    %div3A_64 = vector.broadcast %div3A_63 : f32 to vector<1x128xf32>
    %div3A_65 = arith.divf %broadcast_in_dim3A_62, %div3A_64 : vector<1x128xf32>
    %sub3A_66 = vector.broadcast %div3A_58 : vector<1x128xf32> to vector<10000x128xf32>
    %sub3A_67 = arith.subf %add3A_55, %sub3A_66 : vector<10000x128xf32>
    %add3A_68 = arith.constant 9.99999974E-6 : f32
    %add3A_69 = vector.broadcast %add3A_68 : f32 to vector<1x128xf32>
    %add3A_70 = arith.addf %div3A_65, %add3A_69 : vector<1x128xf32>
    %rsqrt3A = math.rsqrt %add3A_70 : vector<1x128xf32>
    %mul3A = vector.broadcast %rsqrt3A : vector<1x128xf32> to vector<10000x128xf32>
    %mul3A_71 = arith.mulf %sub3A_67, %mul3A : vector<10000x128xf32>
    %get3A_72 = arith.constant 0 : index
    %get3A_73 = arith.constant 0 : index
    %get3A_74 = vector.load %arg8[%get3A_72, %get3A_73] : memref<1x128xf32, #tpu.memory_space<vmem>>, vector<1x128xf32>
    %mul3A_75 = vector.broadcast %get3A_74 : vector<1x128xf32> to vector<10000x128xf32>
    %mul3A_76 = arith.mulf %mul3A_71, %mul3A_75 : vector<10000x128xf32>
    %get3A_77 = arith.constant 0 : index
    %get3A_78 = arith.constant 0 : index
    %get3A_79 = vector.load %arg9[%get3A_77, %get3A_78] : memref<1x128xf32, #tpu.memory_space<vmem>>, vector<1x128xf32>
    %add3A_80 = vector.broadcast %get3A_79 : vector<1x128xf32> to vector<10000x128xf32>
    %add3A_81 = arith.addf %mul3A_76, %add3A_80 : vector<10000x128xf32>
    %ge3A = arith.constant 0.000000e+00 : f32
    %ge3A_82 = vector.broadcast %ge3A : f32 to vector<10000x128xf32>
    %ge3A_83 = arith.cmpf oge, %add3A_81, %ge3A_82 : vector<10000x128xf32>
    %mul3A_84 = arith.constant 0.00999999977 : f32
    %mul3A_85 = vector.broadcast %mul3A_84 : f32 to vector<10000x128xf32>
    %mul3A_86 = arith.mulf %mul3A_85, %add3A_81 : vector<10000x128xf32>
    %select_n3A = arith.select %ge3A_83, %add3A_81, %mul3A_86 : vector<10000x128xi1>, vector<10000x128xf32>
    %swap3A = arith.constant 0 : index
    %swap3A_87 = arith.constant 0 : index
    %swap3A_88 = vector.load %arg10[%swap3A, %swap3A_87] : memref<10000x128xf32, #tpu.memory_space<vmem>>, vector<10000x128xf32>
    tpu.vector_store %arg10[%swap3A, %swap3A_87], %select_n3A {strides = array<i32>} : memref<10000x128xf32, #tpu.memory_space<vmem>>, vector<10000x128xf32>,
    return
  }
}

</mosaic_0001>

<sc_bundles>
// kernel: kernel.10.cloned.1.call-start
scs
__scs_entry_jumppad:
0x0: {  	(pc) =	sbr.rel $0x88, $3  }
0x1: {  	(tag) =	ssettag $0x0;
	lr =	simm.s32 $0x1  }
0x2: {  	[smem:$0x3F97] =	sst lr;
	_ =	strace $0xD0000000  }
0x3: {  	_ = 	snop  }
0x4: {  	_ = 	snop  }
0x5: {  	_ = 	snop  }
0x6: {  	_ = 	snop  }
0x7: {  	_ = 	snop  }
__scs_overlays_trampoline_lowered:
0x8: {  	[smem:$0x3FA6] =	sst s0  }
0x9: {  	[smem:$0x3FA7] =	sst s1  }
0xa: {  	[smem:$0x3FA8] =	sst s2  }
0xb: {  	[smem:$0x3FA9] =	sst s3  }
0xc: {  	[smem:$0x3FAA] =	sst s4  }
0xd: {  	[smem:$0x3FAB] =	sst s5  }
0xe: {  	[smem:$0x3FAC] =	sst s6  }
0xf: {  	[smem:$0x3FAD] =	sst s7  }
0x10: {  	[smem:$0x3FAE] =	sst s8  }
0x11: {  	[smem:$0x3FAF] =	sst s9;
	s0 =	simm.s32 @!p0 $0x0  }
0x12: {  	s1 =	sld [smem:$0x3F95];
	s0 =	simm.s32 @p0 $0x1  }
0x13: {  	[smem:$0x3FB0] =	sst s0;
	s0 =	simm.s32 @!p1 $0x0  }
0x14: {  	s2 =	sld [smem:$0x3F94];
	s0 =	simm.s32 @p1 $0x1  }
0x15: {  	[smem:$0x3FB1] =	sst s0;
	s0 =	simm.s32 @!p2 $0x0  }
0x16: {  	s3 =	sld [smem:$0x3FDB];
	s0 =	simm.s32 @p2 $0x1  }
0x17: {  	s4 =	simm.s32 $0x1BF5;
	[smem:$0x3FB3] =	sst s0  }
0x18: {  	s0 =	sld [smem:$0x3F96];
	_ =	swait.ge [sflag:s4], $0x0  }
0x19: {  	s7 =	sld [smem:$0x3F97]  }
0x1a: {  	s8 =	sadd.s32 $0xFFFFE003, lr  }
0x1b: {  	s9 =	sadd.s32 $0xFFFFFEF7, lr;
	s5 =	simm.s32 $0xFFFFFFFF;
	p2 =	slt.u32 s8, $0xFFFFF086  }
0x1c: {  	p1 =	slt.u32 s9, $0xF7A;
	s5 =	simm.s32 @!p2 $0x0  }
0x1d: {  	s5 =	simm.s32 @p1 $0x1;
	p0 =	seq.s32 s7, s2  }
0x1e: {  	s7 =	smul.u32 @!p0 $0xF7A, s2;
	p2 =	seq.s32 @!p0 s5, $0x0  }
0x1f: {  	s9 =	smul.u32 $0xF7A, s1;
	s8 =	simm.s32 @!p0 $0x1BF5;
	p2 =	por !p2, p0  }
0x20: {  	[sflag:s8] =	ssyncset.s32 @!p0 $0xFFFFF086;
	s6 =	sadd.s32 @!p0 s3, s7;
	s7 =	simm.s32 @!p0 $0x108  }
0x21: {  	s3 =	sadd.s32 s3, s9;
	s6 =	sadd.s32 @!p0 $0x88, s6;
	s7 =	simm.s32 @p2 $0x1082  }
0x22: {  	[simem:s7], [sflag:s8] =	dma.local @!p0 [hbm:s6], $0xF7A  }
0x23: {  	s9 =	sor.u32 $0xD0000000, s2;
	s6 =	simm.s32 $0x108;
	_ =	swait.ge @!p0 [sflag:s8], $0x0  }
0x24: {  	s3 =	sadd.s32 $0x88, s3;
	s6 =	simm.s32 @!p1 $0x1082;
	[sflag:s4] =	ssyncset.s32 $0xFFFFF086  }
0x25: {  	[simem:s6], [sflag:s4] =	dma.local [hbm:s3], $0xF7A  }
0x26: {  	[smem:$0x3F97] =	sst s1;
	(tag) =	ssettag s2;
	_ =	strace s9  }
0x27: {  	s1 =	sld [smem:$0x3FA7]  }
0x28: {  	s2 =	sld [smem:$0x3FA8]  }
0x29: {  	s4 =	sld [smem:$0x3FAA]  }
0x2a: {  	p0 =	seq.s32 s5, $0x0;
	s5 =	sld [smem:$0x3FAB]  }
0x2b: {  	s6 =	sld [smem:$0x3FAC]  }
0x2c: {  	s7 =	sld [smem:$0x3FAD]  }
0x2d: {  	s3 =	simm.s32 $0x108;
	s8 =	sld [smem:$0x3FAE]  }
0x2e: {  	s3 =	simm.s32 @!p0 $0x1082;
	s9 =	sld [smem:$0x3FAF]  }
0x2f: {  	lr =	sadd.s32 s0, s3;
	s0 =	sld [smem:$0x3FA6]  }
0x30: {  	s3 =	sld [smem:$0x3FA9]  }
0x31: {  	[smem:$0x3FB2] =	sst s10  }
0x32: {  	s10 =	sld [smem:$0x3FB0];
	_ =	sdelay $0x3  }
0x33: {  	p0 =	seq.s32 s10, $0x1;
	s10 =	sld [smem:$0x3FB2];
	_ =	sdelay $0x3  }
0x34: {  	[smem:$0x3FB2] =	sst s10  }
0x35: {  	s10 =	sld [smem:$0x3FB1];
	_ =	sdelay $0x3  }
0x36: {  	p1 =	seq.s32 s10, $0x1;
	s10 =	sld [smem:$0x3FB2];
	_ =	sdelay $0x3  }
0x37: {  	[smem:$0x3FB2] =	sst s10  }
0x38: {  	s10 =	sld [smem:$0x3FB3]  }
0x39: {  	_ = 	snop;
	(pc) =	sbr.ind lr, $3  }
0x3a: {  	_ = 	snop  }
0x3b: {  	_ = 	snop  }
0x3c: {  	p2 =	seq.s32 s10, $0x1;
	s10 =	sld [smem:$0x3FB2]  }
0x3d: {  	_ =	shalt  }
0x3e: {  	_ =	shalt  }
0x3f: {  	_ =	shalt  }
0x40: {  	_ =	shalt  }
0x41: {  	_ =	shalt  }
0x42: {  	_ =	shalt  }
0x43: {  	_ =	shalt  }
0x44: {  	_ =	shalt  }
0x45: {  	_ =	shalt  }
0x46: {  	_ =	shalt  }
0x47: {  	_ =	shalt  }
0x48: {  	_ =	shalt  }
0x49: {  	_ =	shalt  }
0x4a: {  	_ =	shalt  }
0x4b: {  	_ =	shalt  }
0x4c: {  	_ =	shalt  }
0x4d: {  	_ =	shalt  }
0x4e: {  	_ =	shalt  }
0x4f: {  	_ =	shalt  }
0x50: {  	_ =	shalt  }
0x51: {  	_ =	shalt  }
0x52: {  	_ =	shalt  }
0x53: {  	_ =	shalt  }
0x54: {  	_ =	shalt  }
0x55: {  	_ =	shalt  }
0x56: {  	_ =	shalt  }
0x57: {  	_ =	shalt  }
0x58: {  	_ =	shalt  }
0x59: {  	_ =	shalt  }
0x5a: {  	_ =	shalt  }
0x5b: {  	_ =	shalt  }
0x5c: {  	_ =	shalt  }
0x5d: {  	_ =	shalt  }
0x5e: {  	_ =	shalt  }
0x5f: {  	_ =	shalt  }
0x60: {  	_ =	shalt  }
0x61: {  	_ =	shalt  }
0x62: {  	_ =	shalt  }
0x63: {  	_ =	shalt  }
0x64: {  	_ =	shalt  }
0x65: {  	_ =	shalt  }
0x66: {  	_ =	shalt  }
0x67: {  	_ =	shalt  }
0x68: {  	_ =	shalt  }
0x69: {  	_ =	shalt  }
0x6a: {  	_ =	shalt  }
0x6b: {  	_ =	shalt  }
0x6c: {  	_ =	shalt  }
0x6d: {  	_ =	shalt  }
0x6e: {  	_ =	shalt  }
0x6f: {  	_ =	shalt  }
0x70: {  	_ =	shalt  }
0x71: {  	_ =	shalt  }
0x72: {  	_ =	shalt  }
0x73: {  	_ =	shalt  }
0x74: {  	_ =	shalt  }
0x75: {  	_ =	shalt  }
0x76: {  	_ =	shalt  }
0x77: {  	_ =	shalt  }
0x78: {  	_ =	shalt  }
0x79: {  	_ =	shalt  }
0x7a: {  	_ =	shalt  }
0x7b: {  	_ =	shalt  }
0x7c: {  	_ =	shalt  }
0x7d: {  	_ =	shalt  }
0x7e: {  	_ =	shalt  }
0x7f: {  	_ =	shalt  }
0x80: {  	_ =	shalt  }
0x81: {  	_ =	shalt  }
0x82: {  	_ =	shalt  }
0x83: {  	_ =	shalt  }
0x84: {  	_ =	shalt  }
0x85: {  	_ =	shalt  }
0x86: {  	_ =	shalt  }
0x87: {  	_ =	shalt  }
.Lfunc_end0:
.L_simem_size_0:
called_computation_lowered:
.L_overlay_start_0:
0x88: {  	s2 =	sld [smem:$0x3FD9]  }
0x89: {  	s3 =	sld [smem:$0x3FFE];
	_ =	sdelay $0x1  }
0x8a: {  	s1 =	srdreg.scid  }
0x8b: {  	s0 =	sand.u32 $0x1, s1  }
0x8c: {  	s16 =	sshll.u32 s0, $0xA;
	s2 =	sadd.s32 s3, s2  }
0x8d: {  	s2 =	sadd.s32 s2, s16  }
0x8e: {  	[smem:$0x3FBE] =	sst s2  }
0x8f: {  	_ = 	snop  }
0x90: {  	(tm) =	ssettm $0x1  }
0x91: {  	s17 =	sld [smem:$0x3FFB];
	_ =	sdelay $0x3  }
0x92: {  	_ =	strace s17  }
0x93: {  	s2 =	sld [smem:$0x3FFC];
	_ =	sdelay $0x3  }
0x94: {  	_ =	strace s2  }
0x95: {  	s2 =	sld [smem:$0x3FFD];
	_ =	sdelay $0x3  }
0x96: {  	_ =	strace s2  }
0x97: {  	_ =	strace $0x8FFFFFFF  }
0x98: {  	s18 =	sld [smem:$0x3FDB];
	_ =	sdelay $0x1  }
0x99: {  	s19 =	simm.s32 $_scs_section_size  }
0x9a: {  	s4 =	simm.s32 $_size__tile_overlayer_lowered;
	s5 =	simm.s32 $_tile_overlayer_lowered  }
0x9b: {  	s22 =	simm.s32 $0x1BFF;
	s21 =	sshll.u32 s5, $0x1;
	s2 =	sadd.s32 s19, s18  }
0x9c: {  	s6 =	simm.s32 $0x0;
	s20 =	sshll.u32 s4, $0x1;
	s4 =	sadd.s32 s21, s2  }
0x9d: {  	[timem:s6], [sflag:s22] =	dma.local [hbm:s4], s20  }
0x9e: {  	_ =	swait.ge [sflag:s22], s20  }
0x9f: {  	s3 =	ssub.s32 $0x0, s20;
	[sflag:s22] =	ssyncset.done $0x0  }
0xa0: {  	[sflag:s22] =	ssyncadd.s32 s3;
	_ =	sdelay $0x1  }
0xa1: {  	s23 =	simm.s32 $0x1B8B  }
0xa2: {  	_ =	swait.ge [sflag:s23], $0x1  }
0xa3: {  	[sflag:s23] =	ssyncset.done $0x0  }
0xa4: {  	s25 =	simm.s32 $0x1B8E;
	s24 =	sld [smem:$0x3FFE];
	[sflag:s23] =	ssyncadd.s32 $0xFFFFFFFF  }
0xa5: {  	s26 =	simm.s32 $execute0_lowered;
	[smem:$0x3FD2] =	sst s25  }
0xa6: {  	s4 =	sshll.u32 s26, $0x1;
	_ =	strace $0x80000046;
	[dreg:$0x1] =	wrdreg $0xFFFFFFFF  }
0xa7: {  	s28 =	simm.s32 $_size_execute0_lowered;
	s2 =	sadd.s32 s2, s4;
	[dreg:$0x0] =	wrdreg $0x0  }
0xa8: {  	s4 =	sshll.u32 s28, $0x1;
	[dreg:$0x2] =	wrdreg s2  }
0xa9: {  	[dreg:$0x3] =	wrdreg s4  }
0xaa: {  	[dreg:$0x4] =	wrdreg $0xC0  }
0xab: {  	_ =	task [dreg:s6], $0x5FFFF  }
0xac: {  	[dreg:$0x1] =	wrdreg $0xFFFFFFFF  }
0xad: {  	[dreg:$0x0] =	wrdreg $0x60  }
0xae: {  	[dreg:$0x2] =	wrdreg s24  }
0xaf: {  	[dreg:$0x3] =	wrdreg $0x40800  }
0xb0: {  	[dreg:$0x4] =	wrdreg $0x9  }
0xb1: {  	_ =	task.clear_ibuf [dreg:s6], $0x5FFFF;
	_ =	strace $0x90000046  }
0xb2: {  	s29 =	simm.s32 $0x9;
	_ =	strace $0x80000048  }
0xb3: {  	_ =	swait.ge [sflag:s29], $0x1  }
0xb4: {  	[sflag:s29] =	ssyncadd.s32 $0xFFFFFFFF  }
0xb5: {  	_ =	strace $0x90000048  }
0xb6: {  	_ =	sfence  }
0xb7: {  	s30 =	sld [smem:$0x0];
	_ =	sdelay $0x2  }
0xb8: {  	s31 =	sshll.u32 s1, $0xD;
	s1 =	sshrl.u32 s1, $0x2  }
0xb9: {  	s3 =	sand.u32 $0x4000, s31;
	s1 =	sadd.s32 s1, s30  }
0xba: {  	s0 =	sor.u32 s3, s0;
	s1 =	sshll.u32 s1, $0x11  }
0xbb: {  	s0 =	sor.u32 s1, s0  }
0xbc: {  	s0 =	sadd.s32 $0x8F2B, s0  }
0xbd: {  	[sflag:s0] =	ssyncadd.remote.s32 $0x1  }
0xbe: {  	_ =	sfence.sel $0xFFFF  }
0xbf: {  	[dreg:$0x0] =	wrdreg $0xFFFFFFFF;
	(pc) =	sbr.abs _section_cstart, $3  }
0xc0: {  	[dreg:$0x1] =	wrdreg $0xFFFFFFFF  }
0xc1: {  	_ =	task.clear_ibuf [dreg:s6], $0x2FFFF;
	_ =	strace $0x9FFFFFFF  }
0xc2: {  	(tm) =	ssettm $0x7FFFFFFF  }
0xc3: {  	_ =	shalt  }
tec
execute0_lowered:
.L_overlay_start_1:
0x0: {  	(tag) =	ssettag $0x1  }
0x1: {  	s0 =	stileid.u32  }
0x2: {  	s6 =	smul.u32 $0x4F00, s0  }
0x3: {  	s1 =	srdreg.scid;
	s8 =	smul.u32 $0x4F000, s0  }
0x4: {  	s4 =	rddreg [dreg:$0x0];
	s25 =	smul.u32 $0x14000, s0  }
0x5: {  	s2 =	rddreg [dreg:$0x1];
	s5 =	sand.u32 $0x1, s1;
	s12 =	smul.u32 $0x50000, s0  }
0x6: {  	s3 =	simm.s32 $0x0;
	s1 =	rddreg [dreg:$0x2];
	s7 =	smul.u32 $0x2780, s5  }
0x7: {  	[smem:$0x7FF] =	sst s3;
	s30 =	sshll.u32 s0, $0x6;
	s9 =	smul.u32 $0x140000, s5  }
0x8: {  	_ =	strace $0x80000047;
	s28 =	ssub.s32 $0x2, s5;
	s31 =	smul.u32 $0x27800, s5  }
0x9: {  	s5 =	sor.u32 $0x1C01, s30;
	s8 =	sadd.s32 s8, s4;
	s26 =	sshrl.u32 s25, $0x3  }
0xa: {  	s11 =	sshrl.u32 s28, $0x1;
	s29 =	sshrl.u32 s12, $0x2;
	s12 =	simm.s32 $0x80  }
0xb: {  	s6 =	sadd.s32 s7, s6;
	s7 =	sadd.s32 s25, s9;
	s9 =	ssub.s32 s28, s11  }
0xc: {  	s13 =	sadd.s32 s29, s2;
	s8 =	sadd.s32 s31, s8;
	s11 =	simm.s32 $0x1  }
0xd: {  	s6 =	sshrl.u32 s6, $0x3;
	s7 =	sshrl.u32 s7, $0x3;
	s8 =	sadd.s32 $0x4F8E00, s8  }
0xe: {  	s10 =	sadd.s32 s6, s4;
	s6 =	sadd.s32 s26, s4;
	s7 =	sadd.s32 s7, s4  }
0xf: {  	s4 =	sadd.s32 $0x3200, s6;
	s6 =	sadd.s32 $0x2B200, s7;
	s7 =	smax.u32 s9, $0x1  }
0x10: {  	s9 =	sadd.s32 $0x4EF000, s10;
	s10 =	sshrl.u32 s13, $0x3;
	s13 =	simm.s32 $0x0  }
.LBB2_1:
0x11: {  	[spmem:s10], [sflag:s5] =	dma.local [hbm:s4], $0x2800  }
0x12: {  	_ =	swait.ge [sflag:s11], $0x2800  }
0x13: {  	[sflag:s11] =	ssyncset.done $0x0  }
0x14: {  	[sflag:s11] =	ssyncadd.s32 $0xFFFFD800  }
0x15: {  	s14 =	sadd.s32 $0x0, s9;
	[bflag:$0x0] =	sbarrier.arrive $0xFFFF  }
0x16: {  	[tilespmem:s3], [sflag:$0x1] =	stream.linear.gather [hbm4b:s14+s3], $0x80, $0x38;
	[tilespmem:$0x18080] =	vst v63  }
0x17: {  	_ =	swait.ge [sflag:s11], $0x80  }
0x18: {  	[sflag:s11] =	ssyncset.done $0x0  }
0x19: {  	[sflag:s11] =	ssyncadd.s32 $0xFFFFFF80  }
0x1a: {  	[tilespmem:s12], [sflag:$0x1] =	stream.linear.gather [hbm4b:s8+s3], $0x4000, $0x38;
	[tilespmem:$0x18080] =	vst v63  }
0x1b: {  	_ =	swait.ge [sflag:s11], $0x4000  }
0x1c: {  	[sflag:s11] =	ssyncset.done $0x0  }
0x1d: {  	[sflag:s11] =	ssyncadd.s32 $0xFFFFC000  }
0x1e: {  	[spmem:s2] =	stream.indirect.scatter.add.f32 [tilespmem:s12], [sflag:$0x1], $0x80, s3, s12, $0xb8;
	[tilespmem:$0x18080] =	vst v63  }
0x1f: {  	s15 =	simm.s32 $0x10;
	_ =	swait.ge [sflag:s11], $0x4000  }
0x20: {  	s16 =	simm.s32 $0x20;
	s14 =	sadd.s32 $0x800, s8;
	[sflag:s11] =	ssyncset.done $0x0  }
.LBB2_2:
0x21: {  	s17 =	sadd.s32 s15, s9  }
0x22: {  	[sflag:s11] =	ssyncadd.s32 $0xFFFFC000;
	s15 =	smov.u32 s16;
	s18 =	sadd.s32 $0x10, s16  }
0x23: {  	[tilespmem:s3], [sflag:$0x1] =	stream.linear.gather [hbm4b:s17+s3], $0x80, $0x38;
	[tilespmem:$0x18080] =	vst v63  }
0x24: {  	p0 =	sne.s32 s16, $0x4E0;
	_ =	swait.ge [sflag:s11], $0x80  }
0x25: {  	[sflag:s11] =	ssyncset.done $0x0  }
0x26: {  	[sflag:s11] =	ssyncadd.s32 $0xFFFFFF80  }
0x27: {  	[tilespmem:s12], [sflag:$0x1] =	stream.linear.gather [hbm4b:s14+s3], $0x4000, $0x38;
	[tilespmem:$0x18080] =	vst v63  }
0x28: {  	_ =	swait.ge [sflag:s11], $0x4000  }
.Ltmp0:
0x29: {  	[sflag:s11] =	ssyncset.done $0x0;
	(pc) =	sbr.rel @p0 .LBB2_2-.Ltmp0, $4  }
0x2a: {  	[sflag:s11] =	ssyncadd.s32 $0xFFFFC000  }
0x2b: {  	[spmem:s2] =	stream.indirect.scatter.add.f32 [tilespmem:s12], [sflag:$0x1], $0x80, s3, s12, $0xb8;
	[tilespmem:$0x18080] =	vst v63  }
0x2c: {  	_ =	swait.ge [sflag:s11], $0x4000  }
0x2d: {  	s16 =	smov.u32 s18;
	s14 =	sadd.s32 $0x800, s14;
	[sflag:s11] =	ssyncset.done $0x0  }
0x2e: {  	s15 =	sadd.s32 s15, s9;
	[sflag:s11] =	ssyncadd.s32 $0xFFFFC000  }
0x2f: {  	[tilespmem:s3], [sflag:$0x1] =	stream.linear.gather [hbm4b:s15+s3], $0x80, $0x38;
	[tilespmem:$0x18080] =	vst v63  }
0x30: {  	_ =	swait.ge [sflag:s11], $0x80  }
0x31: {  	[sflag:s11] =	ssyncset.done $0x0  }
0x32: {  	[sflag:s11] =	ssyncadd.s32 $0xFFFFFF80  }
0x33: {  	[tilespmem:s12], [sflag:$0x1] =	stream.linear.gather [hbm4b:s14+s3], $0x4000, $0x38;
	[tilespmem:$0x18080] =	vst v63  }
0x34: {  	_ =	swait.ge [sflag:s11], $0x4000  }
0x35: {  	[sflag:s11] =	ssyncset.done $0x0  }
0x36: {  	[sflag:s11] =	ssyncadd.s32 $0xFFFFC000  }
0x37: {  	[spmem:s2] =	stream.indirect.scatter.add.f32 [tilespmem:s12], [sflag:$0x1], $0x80, s3, s12, $0xb8;
	[tilespmem:$0x18080] =	vst v63  }
0x38: {  	_ =	swait.ge [sflag:s11], $0x4000  }
0x39: {  	s13 =	sadd.s32 $0x1, s13;
	[sflag:s11] =	ssyncset.done $0x0  }
0x3a: {  	p0 =	sne.s32 s13, s7;
	[sflag:s11] =	ssyncadd.s32 $0xFFFFC000  }
.Ltmp1:
0x3b: {  	[bflag:$0x0] =	sbarrier.arrive $0xFFFF;
	(pc) =	sbr.rel @p0 .LBB2_1-.Ltmp1, $4  }
0x3c: {  	[hbm:s6], [sflag:s5] =	dma.local [spmem:s10], $0x2800  }
0x3d: {  	_ =	swait.ge [sflag:s11], $0x2800  }
0x3e: {  	[sflag:s11] =	ssyncset.done $0x0  }
0x3f: {  	[sflag:s11] =	ssyncadd.s32 $0xFFFFD800  }
0x40: {  	_ =	sfence.sel $0x180000  }
0x41: {  	[bflag:$0x0] =	sbarrier.arrive $0xFFFF  }
0x42: {  	p0 =	sne.s32 s0, $0x0;
	_ =	strace $0x90000047  }
0x43: {  	s0 =	sadd.s32 @!p0 $0x100000, s1;
	[bflag:$0x2] =	sbarrier.arrive $0xFFFF  }
0x44: {  	[sflag:s0] =	ssyncadd.tile.s32 @!p0 $0x1;
	_ =	shalt  }
.Lfunc_end2:
_tile_overlayer_lowered:
.L_overlay_start_2:
0x45: {  	(tag) =	ssettag $0x2  }
0x46: {  	s0 =	rddreg [dreg:$0x0];
	s2 =	stileid.u32  }
0x47: {  	s1 =	rddreg [dreg:$0x1];
	p0 =	sne.s32 s2, $0x0  }
0x48: {  	s3 =	rddreg [dreg:$0x2];
	[bflag:$0x3] =	sbarrier.arrive $0xFFFF;
	s2 =	simm.s32 @!p0 $0x1C01  }
0x49: {  	[timem:s3], [sflag:s2] =	dma.local @!p0 [hbm:s0], s1  }
0x4a: {  	s0 =	simm.s32 @!p0 $0x1  }
0x4b: {  	_ =	swait.ge @!p0 [sflag:s0], s1  }
0x4c: {  	s1 =	ssub.s32 @!p0 $0x0, s1;
	[sflag:s0] =	ssyncset.done @!p0 $0x0  }
0x4d: {  	[sflag:s0] =	ssyncadd.s32 @!p0 s1  }
0x4e: {  	[bflag:$0x3] =	sbarrier.arrive $0xFFFF  }
0x4f: {  	_ =	shalt  }

// kernel: kernel.13.cloned.1.call-start
scs
__scs_entry_jumppad:
0x0: {  	(pc) =	sbr.rel $0x88, $3  }
0x1: {  	(tag) =	ssettag $0x0;
	lr =	simm.s32 $0x1  }
0x2: {  	[smem:$0x3F97] =	sst lr;
	_ =	strace $0xD0000000  }
0x3: {  	_ = 	snop  }
0x4: {  	_ = 	snop  }
0x5: {  	_ = 	snop  }
0x6: {  	_ = 	snop  }
0x7: {  	_ = 	snop  }
__scs_overlays_trampoline_lowered:
0x8: {  	[smem:$0x3FA6] =	sst s0  }
0x9: {  	[smem:$0x3FA7] =	sst s1  }
0xa: {  	[smem:$0x3FA8] =	sst s2  }
0xb: {  	[smem:$0x3FA9] =	sst s3  }
0xc: {  	[smem:$0x3FAA] =	sst s4  }
0xd: {  	[smem:$0x3FAB] =	sst s5  }
0xe: {  	[smem:$0x3FAC] =	sst s6  }
0xf: {  	[smem:$0x3FAD] =	sst s7  }
0x10: {  	[smem:$0x3FAE] =	sst s8  }
0x11: {  	[smem:$0x3FAF] =	sst s9;
	s0 =	simm.s32 @!p0 $0x0  }
0x12: {  	s1 =	sld [smem:$0x3F95];
	s0 =	simm.s32 @p0 $0x1  }
0x13: {  	[smem:$0x3FB0] =	sst s0;
	s0 =	simm.s32 @!p1 $0x0  }
0x14: {  	s2 =	sld [smem:$0x3F94];
	s0 =	simm.s32 @p1 $0x1  }
0x15: {  	[smem:$0x3FB1] =	sst s0;
	s0 =	simm.s32 @!p2 $0x0  }
0x16: {  	s3 =	sld [smem:$0x3FDB];
	s0 =	simm.s32 @p2 $0x1  }
0x17: {  	s4 =	simm.s32 $0x1BF5;
	[smem:$0x3FB3] =	sst s0  }
0x18: {  	s0 =	sld [smem:$0x3F96];
	_ =	swait.ge [sflag:s4], $0x0  }
0x19: {  	s7 =	sld [smem:$0x3F97]  }
0x1a: {  	s8 =	sadd.s32 $0xFFFFE003, lr  }
0x1b: {  	s9 =	sadd.s32 $0xFFFFFEF7, lr;
	s5 =	simm.s32 $0xFFFFFFFF;
	p2 =	slt.u32 s8, $0xFFFFF086  }
0x1c: {  	p1 =	slt.u32 s9, $0xF7A;
	s5 =	simm.s32 @!p2 $0x0  }
0x1d: {  	s5 =	simm.s32 @p1 $0x1;
	p0 =	seq.s32 s7, s2  }
0x1e: {  	s7 =	smul.u32 @!p0 $0xF7A, s2;
	p2 =	seq.s32 @!p0 s5, $0x0  }
0x1f: {  	s9 =	smul.u32 $0xF7A, s1;
	s8 =	simm.s32 @!p0 $0x1BF5;
	p2 =	por !p2, p0  }
0x20: {  	[sflag:s8] =	ssyncset.s32 @!p0 $0xFFFFF086;
	s6 =	sadd.s32 @!p0 s3, s7;
	s7 =	simm.s32 @!p0 $0x108  }
0x21: {  	s3 =	sadd.s32 s3, s9;
	s6 =	sadd.s32 @!p0 $0x88, s6;
	s7 =	simm.s32 @p2 $0x1082  }
0x22: {  	[simem:s7], [sflag:s8] =	dma.local @!p0 [hbm:s6], $0xF7A  }
0x23: {  	s9 =	sor.u32 $0xD0000000, s2;
	s6 =	simm.s32 $0x108;
	_ =	swait.ge @!p0 [sflag:s8], $0x0  }
0x24: {  	s3 =	sadd.s32 $0x88, s3;
	s6 =	simm.s32 @!p1 $0x1082;
	[sflag:s4] =	ssyncset.s32 $0xFFFFF086  }
0x25: {  	[simem:s6], [sflag:s4] =	dma.local [hbm:s3], $0xF7A  }
0x26: {  	[smem:$0x3F97] =	sst s1;
	(tag) =	ssettag s2;
	_ =	strace s9  }
0x27: {  	s1 =	sld [smem:$0x3FA7]  }
0x28: {  	s2 =	sld [smem:$0x3FA8]  }
0x29: {  	s4 =	sld [smem:$0x3FAA]  }
0x2a: {  	p0 =	seq.s32 s5, $0x0;
	s5 =	sld [smem:$0x3FAB]  }
0x2b: {  	s6 =	sld [smem:$0x3FAC]  }
0x2c: {  	s7 =	sld [smem:$0x3FAD]  }
0x2d: {  	s3 =	simm.s32 $0x108;
	s8 =	sld [smem:$0x3FAE]  }
0x2e: {  	s3 =	simm.s32 @!p0 $0x1082;
	s9 =	sld [smem:$0x3FAF]  }
0x2f: {  	lr =	sadd.s32 s0, s3;
	s0 =	sld [smem:$0x3FA6]  }
0x30: {  	s3 =	sld [smem:$0x3FA9]  }
0x31: {  	[smem:$0x3FB2] =	sst s10  }
0x32: {  	s10 =	sld [smem:$0x3FB0];
	_ =	sdelay $0x3  }
0x33: {  	p0 =	seq.s32 s10, $0x1;
	s10 =	sld [smem:$0x3FB2];
	_ =	sdelay $0x3  }
0x34: {  	[smem:$0x3FB2] =	sst s10  }
0x35: {  	s10 =	sld [smem:$0x3FB1];
	_ =	sdelay $0x3  }
0x36: {  	p1 =	seq.s32 s10, $0x1;
	s10 =	sld [smem:$0x3FB2];
	_ =	sdelay $0x3  }
0x37: {  	[smem:$0x3FB2] =	sst s10  }
0x38: {  	s10 =	sld [smem:$0x3FB3]  }
0x39: {  	_ = 	snop;
	(pc) =	sbr.ind lr, $3  }
0x3a: {  	_ = 	snop  }
0x3b: {  	_ = 	snop  }
0x3c: {  	p2 =	seq.s32 s10, $0x1;
	s10 =	sld [smem:$0x3FB2]  }
0x3d: {  	_ =	shalt  }
0x3e: {  	_ =	shalt  }
0x3f: {  	_ =	shalt  }
0x40: {  	_ =	shalt  }
0x41: {  	_ =	shalt  }
0x42: {  	_ =	shalt  }
0x43: {  	_ =	shalt  }
0x44: {  	_ =	shalt  }
0x45: {  	_ =	shalt  }
0x46: {  	_ =	shalt  }
0x47: {  	_ =	shalt  }
0x48: {  	_ =	shalt  }
0x49: {  	_ =	shalt  }
0x4a: {  	_ =	shalt  }
0x4b: {  	_ =	shalt  }
0x4c: {  	_ =	shalt  }
0x4d: {  	_ =	shalt  }
0x4e: {  	_ =	shalt  }
0x4f: {  	_ =	shalt  }
0x50: {  	_ =	shalt  }
0x51: {  	_ =	shalt  }
0x52: {  	_ =	shalt  }
0x53: {  	_ =	shalt  }
0x54: {  	_ =	shalt  }
0x55: {  	_ =	shalt  }
0x56: {  	_ =	shalt  }
0x57: {  	_ =	shalt  }
0x58: {  	_ =	shalt  }
0x59: {  	_ =	shalt  }
0x5a: {  	_ =	shalt  }
0x5b: {  	_ =	shalt  }
0x5c: {  	_ =	shalt  }
0x5d: {  	_ =	shalt  }
0x5e: {  	_ =	shalt  }
0x5f: {  	_ =	shalt  }
0x60: {  	_ =	shalt  }
0x61: {  	_ =	shalt  }
0x62: {  	_ =	shalt  }
0x63: {  	_ =	shalt  }
0x64: {  	_ =	shalt  }
0x65: {  	_ =	shalt  }
0x66: {  	_ =	shalt  }
0x67: {  	_ =	shalt  }
0x68: {  	_ =	shalt  }
0x69: {  	_ =	shalt  }
0x6a: {  	_ =	shalt  }
0x6b: {  	_ =	shalt  }
0x6c: {  	_ =	shalt  }
0x6d: {  	_ =	shalt  }
0x6e: {  	_ =	shalt  }
0x6f: {  	_ =	shalt  }
0x70: {  	_ =	shalt  }
0x71: {  	_ =	shalt  }
0x72: {  	_ =	shalt  }
0x73: {  	_ =	shalt  }
0x74: {  	_ =	shalt  }
0x75: {  	_ =	shalt  }
0x76: {  	_ =	shalt  }
0x77: {  	_ =	shalt  }
0x78: {  	_ =	shalt  }
0x79: {  	_ =	shalt  }
0x7a: {  	_ =	shalt  }
0x7b: {  	_ =	shalt  }
0x7c: {  	_ =	shalt  }
0x7d: {  	_ =	shalt  }
0x7e: {  	_ =	shalt  }
0x7f: {  	_ =	shalt  }
0x80: {  	_ =	shalt  }
0x81: {  	_ =	shalt  }
0x82: {  	_ =	shalt  }
0x83: {  	_ =	shalt  }
0x84: {  	_ =	shalt  }
0x85: {  	_ =	shalt  }
0x86: {  	_ =	shalt  }
0x87: {  	_ =	shalt  }
.Lfunc_end0:
.L_simem_size_0:
called_computation.1_lowered:
.L_overlay_start_0:
0x88: {  	s2 =	sld [smem:$0x3FD9]  }
0x89: {  	s3 =	sld [smem:$0x3FFE];
	_ =	sdelay $0x1  }
0x8a: {  	s1 =	srdreg.scid  }
0x8b: {  	s0 =	sand.u32 $0x1, s1  }
0x8c: {  	s17 =	sshll.u32 s0, $0xA;
	s2 =	sadd.s32 s3, s2  }
0x8d: {  	s2 =	sadd.s32 s2, s17  }
0x8e: {  	[smem:$0x3FBE] =	sst s2  }
0x8f: {  	_ = 	snop  }
0x90: {  	s18 =	sld [smem:$0x3FD0];
	(tm) =	ssettm $0x1  }
0x91: {  	s19 =	sld [smem:$0x3FFB];
	_ =	sdelay $0x3  }
0x92: {  	_ =	strace s19  }
0x93: {  	s2 =	sld [smem:$0x3FFC];
	_ =	sdelay $0x3  }
0x94: {  	_ =	strace s2  }
0x95: {  	s2 =	sld [smem:$0x3FFD];
	_ =	sdelay $0x3  }
0x96: {  	_ =	strace s2  }
0x97: {  	_ =	strace $0x8FFFFFFF  }
0x98: {  	s20 =	sld [smem:$0x3FDB];
	_ =	sdelay $0x1  }
0x99: {  	s4 =	simm.s32 $_scs_section_size  }
0x9a: {  	s5 =	simm.s32 $_size__tile_overlayer_lowered;
	s6 =	simm.s32 $_tile_overlayer_lowered  }
0x9b: {  	s7 =	simm.s32 $0x1BFF;
	s21 =	sshll.u32 s6, $0x1;
	s4 =	sadd.s32 s4, s20  }
0x9c: {  	s22 =	simm.s32 $0x0;
	s5 =	sshll.u32 s5, $0x1;
	s6 =	sadd.s32 s21, s4  }
0x9d: {  	[timem:s22], [sflag:s7] =	dma.local [hbm:s6], s5  }
0x9e: {  	_ =	swait.ge [sflag:s7], s5  }
0x9f: {  	s5 =	ssub.s32 $0x0, s5;
	[sflag:s7] =	ssyncset.done $0x0  }
0xa0: {  	[sflag:s7] =	ssyncadd.s32 s5;
	_ =	sdelay $0x1  }
0xa1: {  	s23 =	simm.s32 $0x1B8B  }
0xa2: {  	_ =	swait.ge [sflag:s23], $0x1  }
0xa3: {  	[sflag:s23] =	ssyncset.done $0x0  }
0xa4: {  	[sflag:s23] =	ssyncadd.s32 $0xFFFFFFFF  }
0xa5: {  	s5 =	sld [smem:$0x0]  }
0xa6: {  	s6 =	sand.u32 $0xFFFFFFFE, s1  }
0xa7: {  	p0 =	sne.s32 s1, s6  }
0xa8: {  	s6 =	sshll.u32 @p0 s6, $0xE  }
0xa9: {  	s6 =	sadd.s32 @p0 $0x11B8D, s6;
	s7 =	sshll.u32 @p0 s5, $0x11  }
0xaa: {  	s6 =	sor.u32 @p0 s7, s6  }
0xab: {  	[sflag:s6] =	ssyncadd.remote.s32 @p0 $0x1;
	_ =	sdelay $0x1  }
0xac: {  	s6 =	simm.s32 @p0 $0x1B8D  }
0xad: {  	_ =	swait.eq @p0 [sflag:s6], $0x1  }
0xae: {  	[sflag:s6] =	ssyncadd.s32 @p0 $0xFFFFFFFF  }
0xaf: {  	s7 =	sshll.u32 @!p0 s1, $0xE  }
0xb0: {  	s7 =	sor.u32 @!p0 $0x4000, s7;
	s6 =	simm.s32 @!p0 $0x1B8D  }
0xb1: {  	s5 =	sshll.u32 @!p0 s5, $0x11;
	s7 =	sadd.s32 @!p0 $0x11B8D, s7;
	_ =	swait.eq @!p0 [sflag:s6], $0x1  }
0xb2: {  	s5 =	sor.u32 @!p0 s5, s7;
	[sflag:s6] =	ssyncadd.s32 @!p0 $0xFFFFFFFF  }
0xb3: {  	s25 =	simm.s32 $0x1B8E;
	s24 =	sld [smem:$0x3FFE];
	[sflag:s5] =	ssyncadd.remote.s32 @!p0 $0x1  }
0xb4: {  	s26 =	simm.s32 $execute0_lowered;
	[smem:$0x3FD2] =	sst s25  }
0xb5: {  	s6 =	sshll.u32 s26, $0x1;
	_ =	strace $0x80000049;
	[dreg:$0x1] =	wrdreg $0xFFFFFFFF  }
0xb6: {  	s28 =	simm.s32 $_size_execute0_lowered;
	s4 =	sadd.s32 s4, s6;
	[dreg:$0x0] =	wrdreg $0x0  }
0xb7: {  	s6 =	sshll.u32 s28, $0x1;
	[dreg:$0x2] =	wrdreg s4  }
0xb8: {  	[dreg:$0x3] =	wrdreg s6  }
0xb9: {  	[dreg:$0x4] =	wrdreg $0xC0  }
0xba: {  	_ =	task [dreg:s22], $0x5FFFF  }
0xbb: {  	[dreg:$0x1] =	wrdreg $0xFFFFFFFF  }
0xbc: {  	[dreg:$0x0] =	wrdreg $0x60  }
0xbd: {  	[dreg:$0x2] =	wrdreg s18  }
0xbe: {  	[dreg:$0x3] =	wrdreg s24  }
0xbf: {  	[dreg:$0x4] =	wrdreg $0x41000  }
0xc0: {  	[dreg:$0x5] =	wrdreg $0xA  }
0xc1: {  	_ =	task.clear_ibuf [dreg:s22], $0x6FFFF;
	_ =	strace $0x90000049  }
0xc2: {  	s29 =	simm.s32 $0xA;
	_ =	strace $0x8000004B  }
0xc3: {  	_ =	swait.ge [sflag:s29], $0x1  }
0xc4: {  	[sflag:s29] =	ssyncadd.s32 $0xFFFFFFFF  }
0xc5: {  	_ =	strace $0x9000004B  }
0xc6: {  	_ =	sfence  }
0xc7: {  	s30 =	sld [smem:$0x0];
	_ =	sdelay $0x2  }
0xc8: {  	s31 =	sshll.u32 s1, $0xD;
	s1 =	sshrl.u32 s1, $0x2  }
0xc9: {  	s4 =	sand.u32 $0x4000, s31;
	s1 =	sadd.s32 s1, s30  }
0xca: {  	s0 =	sor.u32 s4, s0;
	s1 =	sshll.u32 s1, $0x11  }
0xcb: {  	s0 =	sor.u32 s1, s0  }
0xcc: {  	s0 =	sadd.s32 $0x8F2B, s0  }
0xcd: {  	[sflag:s0] =	ssyncadd.remote.s32 $0x1  }
0xce: {  	_ =	sfence.sel $0xFFFF  }
0xcf: {  	[dreg:$0x0] =	wrdreg $0xFFFFFFFF;
	(pc) =	sbr.abs _section_cstart, $3  }
0xd0: {  	[dreg:$0x1] =	wrdreg $0xFFFFFFFF  }
0xd1: {  	_ =	task.clear_ibuf [dreg:s22], $0x2FFFF;
	_ =	strace $0x9FFFFFFF  }
0xd2: {  	(tm) =	ssettm $0x7FFFFFFF  }
0xd3: {  	_ =	shalt  }
tec
execute0_lowered:
.L_overlay_start_1:
0x0: {  	(tag) =	ssettag $0x1  }
0x1: {  	s2 =	rddreg [dreg:$0x0]  }
0x2: {  	s5 =	rddreg [dreg:$0x1]  }
0x3: {  	s3 =	rddreg [dreg:$0x2]  }
0x4: {  	s0 =	rddreg [dreg:$0x3]  }
0x5: {  	s1 =	stileid.u32;
	s7 =	srdreg.scid;
	s4 =	simm.s32 $0x0  }
0x6: {  	s13 =	simm.s32 $0x80;
	s14 =	simm.s32 $0x100;
	s6 =	smul.u32 $0x9E0, s1  }
0x7: {  	s15 =	simm.s32 $0x1;
	s16 =	simm.s32 $0x0;
	s8 =	smul.u32 $0x14000, s1  }
0x8: {  	s7 =	sand.u32 $0x1, s7;
	[smem:$0x7FF] =	sst s4;
	s11 =	smul.u32 $0x50000, s1  }
0x9: {  	s31 =	sshll.u32 s1, $0x6;
	s9 =	smul.u32 $0x140000, s7;
	_ =	strace $0x8000004A  }
0xa: {  	s26 =	ssub.s32 $0x2, s7;
	s30 =	smul.u32 $0x4F0, s7;
	s10 =	sadd.s32 s6, s5  }
0xb: {  	s25 =	sshrl.u32 s8, $0x3;
	s28 =	sshrl.u32 s26, $0x1;
	s29 =	sshrl.u32 s11, $0x2  }
0xc: {  	s8 =	sadd.s32 s8, s9;
	s6 =	sadd.s32 s25, s5;
	s9 =	ssub.s32 s26, s28  }
0xd: {  	s12 =	sadd.s32 s29, s3;
	s10 =	sadd.s32 s30, s10;
	s8 =	sshrl.u32 s8, $0x3  }
0xe: {  	s11 =	sshrl.u32 s12, $0x3;
	s12 =	simm.s32 $0x2;
	s8 =	sadd.s32 s8, s5  }
0xf: {  	s5 =	sadd.s32 $0x3200, s6;
	s6 =	sor.u32 $0x1C02, s31;
	s7 =	sadd.s32 $0x7B200, s8  }
0x10: {  	s8 =	smax.u32 s9, $0x1;
	s9 =	sadd.s32 $0x4E5200, s10;
	s10 =	sadd.s32 $0x4EF000, s10  }
.LBB2_1:
0x11: {  	[spmem:s11], [sflag:s6] =	dma.local [hbm:s5], $0x2800  }
0x12: {  	_ =	swait.ge [sflag:s12], $0x2800  }
0x13: {  	[sflag:s12] =	ssyncset.done $0x0  }
0x14: {  	[sflag:s12] =	ssyncadd.s32 $0xFFFFD800  }
0x15: {  	s17 =	sadd.s32 $0x0, s10;
	[bflag:$0x0] =	sbarrier.arrive $0xFFFF  }
0x16: {  	[tilespmem:s13], [sflag:$0x2] =	stream.linear.gather [hbm4b:s17+s4], $0x80, $0x38;
	[tilespmem:$0x18100] =	vst v63  }
0x17: {  	_ =	swait.ge [sflag:s12], $0x80  }
0x18: {  	[sflag:s12] =	ssyncset.done $0x0  }
0x19: {  	s31 =	sadd.s32 $0x0, s9;
	[sflag:s12] =	ssyncadd.s32 $0xFFFFFF80  }
0x1a: {  	[tilespmem:s4], [sflag:$0x2] =	stream.linear.gather [hbm4b:s31+s4], $0x80, $0x38;
	[tilespmem:$0x18100] =	vst v63  }
0x1b: {  	_ =	swait.ge [sflag:s12], $0x80  }
0x1c: {  	[sflag:s12] =	ssyncset.done $0x0  }
0x1d: {  	[sflag:s12] =	ssyncadd.s32 $0xFFFFFF80  }
0x1e: {  	[tilespmem:s14], [sflag:$0x1] =	stream.indirect.gather [hbm4b:s2+s13], $0x80, s4, s13, $0xb8;
	[tilespmem:$0x18100] =	vst v63  }
0x1f: {  	_ =	swait.ge [sflag:s15], $0x4000  }
0x20: {  	[sflag:s15] =	ssyncset.done $0x0  }
0x21: {  	[sflag:s15] =	ssyncadd.s32 $0xFFFFC000  }
0x22: {  	[spmem:s3] =	stream.indirect.scatter.add.f32 [tilespmem:s14], [sflag:$0x2], $0x80, s13, s13, $0xb8;
	[tilespmem:$0x18100] =	vst v63  }
0x23: {  	_ =	swait.ge [sflag:s12], $0x4000  }
0x24: {  	s18 =	simm.s32 $0x20;
	s17 =	simm.s32 $0x10;
	[sflag:s12] =	ssyncset.done $0x0  }
.LBB2_2:
0x25: {  	s19 =	sadd.s32 s17, s10  }
0x26: {  	[sflag:s12] =	ssyncadd.s32 $0xFFFFC000;
	s20 =	smov.u32 s18;
	s21 =	sadd.s32 $0x10, s18  }
0x27: {  	[tilespmem:s13], [sflag:$0x2] =	stream.linear.gather [hbm4b:s19+s4], $0x80, $0x38;
	[tilespmem:$0x18100] =	vst v63  }
0x28: {  	p0 =	sne.s32 s18, $0x4E0;
	_ =	swait.ge [sflag:s12], $0x80  }
0x29: {  	[sflag:s12] =	ssyncset.done $0x0  }
0x2a: {  	s18 =	sadd.s32 s17, s9;
	s17 =	smov.u32 s20;
	[sflag:s12] =	ssyncadd.s32 $0xFFFFFF80  }
0x2b: {  	[tilespmem:s4], [sflag:$0x2] =	stream.linear.gather [hbm4b:s18+s4], $0x80, $0x38;
	[tilespmem:$0x18100] =	vst v63  }
0x2c: {  	_ =	swait.ge [sflag:s12], $0x80  }
0x2d: {  	[sflag:s12] =	ssyncset.done $0x0  }
0x2e: {  	[sflag:s12] =	ssyncadd.s32 $0xFFFFFF80  }
0x2f: {  	[tilespmem:s14], [sflag:$0x1] =	stream.indirect.gather [hbm4b:s2+s13], $0x80, s4, s13, $0xb8;
	[tilespmem:$0x18100] =	vst v63  }
0x30: {  	_ =	swait.ge [sflag:s15], $0x4000  }
.Ltmp0:
0x31: {  	[sflag:s15] =	ssyncset.done $0x0;
	(pc) =	sbr.rel @p0 .LBB2_2-.Ltmp0, $4  }
0x32: {  	[sflag:s15] =	ssyncadd.s32 $0xFFFFC000  }
0x33: {  	[spmem:s3] =	stream.indirect.scatter.add.f32 [tilespmem:s14], [sflag:$0x2], $0x80, s13, s13, $0xb8;
	[tilespmem:$0x18100] =	vst v63  }
0x34: {  	_ =	swait.ge [sflag:s12], $0x4000  }
0x35: {  	s18 =	smov.u32 s21;
	[sflag:s12] =	ssyncset.done $0x0  }
0x36: {  	s18 =	sadd.s32 s17, s10;
	[sflag:s12] =	ssyncadd.s32 $0xFFFFC000  }
0x37: {  	[tilespmem:s13], [sflag:$0x2] =	stream.linear.gather [hbm4b:s18+s4], $0x80, $0x38;
	[tilespmem:$0x18100] =	vst v63  }
0x38: {  	_ =	swait.ge [sflag:s12], $0x80  }
0x39: {  	[sflag:s12] =	ssyncset.done $0x0  }
0x3a: {  	s31 =	sadd.s32 s17, s9;
	[sflag:s12] =	ssyncadd.s32 $0xFFFFFF80  }
0x3b: {  	[tilespmem:s4], [sflag:$0x2] =	stream.linear.gather [hbm4b:s31+s4], $0x80, $0x38;
	[tilespmem:$0x18100] =	vst v63  }
0x3c: {  	_ =	swait.ge [sflag:s12], $0x80  }
0x3d: {  	[sflag:s12] =	ssyncset.done $0x0  }
0x3e: {  	[sflag:s12] =	ssyncadd.s32 $0xFFFFFF80  }
0x3f: {  	[tilespmem:s14], [sflag:$0x1] =	stream.indirect.gather [hbm4b:s2+s13], $0x80, s4, s13, $0xb8;
	[tilespmem:$0x18100] =	vst v63  }
0x40: {  	_ =	swait.ge [sflag:s15], $0x4000  }
0x41: {  	[sflag:s15] =	ssyncset.done $0x0  }
0x42: {  	[sflag:s15] =	ssyncadd.s32 $0xFFFFC000  }
0x43: {  	[spmem:s3] =	stream.indirect.scatter.add.f32 [tilespmem:s14], [sflag:$0x2], $0x80, s13, s13, $0xb8;
	[tilespmem:$0x18100] =	vst v63  }
0x44: {  	_ =	swait.ge [sflag:s12], $0x4000  }
0x45: {  	s16 =	sadd.s32 $0x1, s16;
	[sflag:s12] =	ssyncset.done $0x0  }
0x46: {  	p0 =	sne.s32 s16, s8;
	[sflag:s12] =	ssyncadd.s32 $0xFFFFC000  }
.Ltmp1:
0x47: {  	[bflag:$0x0] =	sbarrier.arrive $0xFFFF;
	(pc) =	sbr.rel @p0 .LBB2_1-.Ltmp1, $4  }
0x48: {  	[hbm:s7], [sflag:s6] =	dma.local [spmem:s11], $0x2800  }
0x49: {  	_ =	swait.ge [sflag:s12], $0x2800  }
0x4a: {  	[sflag:s12] =	ssyncset.done $0x0  }
0x4b: {  	[sflag:s12] =	ssyncadd.s32 $0xFFFFD800  }
0x4c: {  	_ =	sfence.sel $0x180000  }
0x4d: {  	[bflag:$0x0] =	sbarrier.arrive $0xFFFF  }
0x4e: {  	p0 =	sne.s32 s1, $0x0;
	_ =	strace $0x9000004A  }
0x4f: {  	s0 =	sadd.s32 @!p0 $0x100000, s0;
	[bflag:$0x2] =	sbarrier.arrive $0xFFFF  }
0x50: {  	[sflag:s0] =	ssyncadd.tile.s32 @!p0 $0x1;
	_ =	shalt  }
.Lfunc_end2:
_tile_overlayer_lowered:
.L_overlay_start_2:
0x51: {  	(tag) =	ssettag $0x2  }
0x52: {  	s0 =	rddreg [dreg:$0x0];
	s2 =	stileid.u32  }
0x53: {  	s1 =	rddreg [dreg:$0x1];
	p0 =	sne.s32 s2, $0x0  }
0x54: {  	s3 =	rddreg [dreg:$0x2];
	[bflag:$0x3] =	sbarrier.arrive $0xFFFF;
	s2 =	simm.s32 @!p0 $0x1C02  }
0x55: {  	[timem:s3], [sflag:s2] =	dma.local @!p0 [hbm:s0], s1  }
0x56: {  	s0 =	simm.s32 @!p0 $0x2  }
0x57: {  	_ =	swait.ge @!p0 [sflag:s0], s1  }
0x58: {  	s1 =	ssub.s32 @!p0 $0x0, s1;
	[sflag:s0] =	ssyncset.done @!p0 $0x0  }
0x59: {  	[sflag:s0] =	ssyncadd.s32 @!p0 s1  }
0x5a: {  	[bflag:$0x3] =	sbarrier.arrive $0xFFFF  }
0x5b: {  	_ =	shalt  }

// kernel: kernel.16.cloned.1.call-start
scs
__scs_entry_jumppad:
0x0: {  	(pc) =	sbr.rel $0x88, $3  }
0x1: {  	(tag) =	ssettag $0x0;
	lr =	simm.s32 $0x1  }
0x2: {  	[smem:$0x3F97] =	sst lr;
	_ =	strace $0xD0000000  }
0x3: {  	_ = 	snop  }
0x4: {  	_ = 	snop  }
0x5: {  	_ = 	snop  }
0x6: {  	_ = 	snop  }
0x7: {  	_ = 	snop  }
__scs_overlays_trampoline_lowered:
0x8: {  	[smem:$0x3FA6] =	sst s0  }
0x9: {  	[smem:$0x3FA7] =	sst s1  }
0xa: {  	[smem:$0x3FA8] =	sst s2  }
0xb: {  	[smem:$0x3FA9] =	sst s3  }
0xc: {  	[smem:$0x3FAA] =	sst s4  }
0xd: {  	[smem:$0x3FAB] =	sst s5  }
0xe: {  	[smem:$0x3FAC] =	sst s6  }
0xf: {  	[smem:$0x3FAD] =	sst s7  }
0x10: {  	[smem:$0x3FAE] =	sst s8  }
0x11: {  	[smem:$0x3FAF] =	sst s9;
	s0 =	simm.s32 @!p0 $0x0  }
0x12: {  	s1 =	sld [smem:$0x3F95];
	s0 =	simm.s32 @p0 $0x1  }
0x13: {  	[smem:$0x3FB0] =	sst s0;
	s0 =	simm.s32 @!p1 $0x0  }
0x14: {  	s2 =	sld [smem:$0x3F94];
	s0 =	simm.s32 @p1 $0x1  }
0x15: {  	[smem:$0x3FB1] =	sst s0;
	s0 =	simm.s32 @!p2 $0x0  }
0x16: {  	s3 =	sld [smem:$0x3FDB];
	s0 =	simm.s32 @p2 $0x1  }
0x17: {  	s4 =	simm.s32 $0x1BF5;
	[smem:$0x3FB3] =	sst s0  }
0x18: {  	s0 =	sld [smem:$0x3F96];
	_ =	swait.ge [sflag:s4], $0x0  }
0x19: {  	s7 =	sld [smem:$0x3F97]  }
0x1a: {  	s8 =	sadd.s32 $0xFFFFE003, lr  }
0x1b: {  	s9 =	sadd.s32 $0xFFFFFEF7, lr;
	s5 =	simm.s32 $0xFFFFFFFF;
	p2 =	slt.u32 s8, $0xFFFFF086  }
0x1c: {  	p1 =	slt.u32 s9, $0xF7A;
	s5 =	simm.s32 @!p2 $0x0  }
0x1d: {  	s5 =	simm.s32 @p1 $0x1;
	p0 =	seq.s32 s7, s2  }
0x1e: {  	s7 =	smul.u32 @!p0 $0xF7A, s2;
	p2 =	seq.s32 @!p0 s5, $0x0  }
0x1f: {  	s9 =	smul.u32 $0xF7A, s1;
	s8 =	simm.s32 @!p0 $0x1BF5;
	p2 =	por !p2, p0  }
0x20: {  	[sflag:s8] =	ssyncset.s32 @!p0 $0xFFFFF086;
	s6 =	sadd.s32 @!p0 s3, s7;
	s7 =	simm.s32 @!p0 $0x108  }
0x21: {  	s3 =	sadd.s32 s3, s9;
	s6 =	sadd.s32 @!p0 $0x88, s6;
	s7 =	simm.s32 @p2 $0x1082  }
0x22: {  	[simem:s7], [sflag:s8] =	dma.local @!p0 [hbm:s6], $0xF7A  }
0x23: {  	s9 =	sor.u32 $0xD0000000, s2;
	s6 =	simm.s32 $0x108;
	_ =	swait.ge @!p0 [sflag:s8], $0x0  }
0x24: {  	s3 =	sadd.s32 $0x88, s3;
	s6 =	simm.s32 @!p1 $0x1082;
	[sflag:s4] =	ssyncset.s32 $0xFFFFF086  }
0x25: {  	[simem:s6], [sflag:s4] =	dma.local [hbm:s3], $0xF7A  }
0x26: {  	[smem:$0x3F97] =	sst s1;
	(tag) =	ssettag s2;
	_ =	strace s9  }
0x27: {  	s1 =	sld [smem:$0x3FA7]  }
0x28: {  	s2 =	sld [smem:$0x3FA8]  }
0x29: {  	s4 =	sld [smem:$0x3FAA]  }
0x2a: {  	p0 =	seq.s32 s5, $0x0;
	s5 =	sld [smem:$0x3FAB]  }
0x2b: {  	s6 =	sld [smem:$0x3FAC]  }
0x2c: {  	s7 =	sld [smem:$0x3FAD]  }
0x2d: {  	s3 =	simm.s32 $0x108;
	s8 =	sld [smem:$0x3FAE]  }
0x2e: {  	s3 =	simm.s32 @!p0 $0x1082;
	s9 =	sld [smem:$0x3FAF]  }
0x2f: {  	lr =	sadd.s32 s0, s3;
	s0 =	sld [smem:$0x3FA6]  }
0x30: {  	s3 =	sld [smem:$0x3FA9]  }
0x31: {  	[smem:$0x3FB2] =	sst s10  }
0x32: {  	s10 =	sld [smem:$0x3FB0];
	_ =	sdelay $0x3  }
0x33: {  	p0 =	seq.s32 s10, $0x1;
	s10 =	sld [smem:$0x3FB2];
	_ =	sdelay $0x3  }
0x34: {  	[smem:$0x3FB2] =	sst s10  }
0x35: {  	s10 =	sld [smem:$0x3FB1];
	_ =	sdelay $0x3  }
0x36: {  	p1 =	seq.s32 s10, $0x1;
	s10 =	sld [smem:$0x3FB2];
	_ =	sdelay $0x3  }
0x37: {  	[smem:$0x3FB2] =	sst s10  }
0x38: {  	s10 =	sld [smem:$0x3FB3]  }
0x39: {  	_ = 	snop;
	(pc) =	sbr.ind lr, $3  }
0x3a: {  	_ = 	snop  }
0x3b: {  	_ = 	snop  }
0x3c: {  	p2 =	seq.s32 s10, $0x1;
	s10 =	sld [smem:$0x3FB2]  }
0x3d: {  	_ =	shalt  }
0x3e: {  	_ =	shalt  }
0x3f: {  	_ =	shalt  }
0x40: {  	_ =	shalt  }
0x41: {  	_ =	shalt  }
0x42: {  	_ =	shalt  }
0x43: {  	_ =	shalt  }
0x44: {  	_ =	shalt  }
0x45: {  	_ =	shalt  }
0x46: {  	_ =	shalt  }
0x47: {  	_ =	shalt  }
0x48: {  	_ =	shalt  }
0x49: {  	_ =	shalt  }
0x4a: {  	_ =	shalt  }
0x4b: {  	_ =	shalt  }
0x4c: {  	_ =	shalt  }
0x4d: {  	_ =	shalt  }
0x4e: {  	_ =	shalt  }
0x4f: {  	_ =	shalt  }
0x50: {  	_ =	shalt  }
0x51: {  	_ =	shalt  }
0x52: {  	_ =	shalt  }
0x53: {  	_ =	shalt  }
0x54: {  	_ =	shalt  }
0x55: {  	_ =	shalt  }
0x56: {  	_ =	shalt  }
0x57: {  	_ =	shalt  }
0x58: {  	_ =	shalt  }
0x59: {  	_ =	shalt  }
0x5a: {  	_ =	shalt  }
0x5b: {  	_ =	shalt  }
0x5c: {  	_ =	shalt  }
0x5d: {  	_ =	shalt  }
0x5e: {  	_ =	shalt  }
0x5f: {  	_ =	shalt  }
0x60: {  	_ =	shalt  }
0x61: {  	_ =	shalt  }
0x62: {  	_ =	shalt  }
0x63: {  	_ =	shalt  }
0x64: {  	_ =	shalt  }
0x65: {  	_ =	shalt  }
0x66: {  	_ =	shalt  }
0x67: {  	_ =	shalt  }
0x68: {  	_ =	shalt  }
0x69: {  	_ =	shalt  }
0x6a: {  	_ =	shalt  }
0x6b: {  	_ =	shalt  }
0x6c: {  	_ =	shalt  }
0x6d: {  	_ =	shalt  }
0x6e: {  	_ =	shalt  }
0x6f: {  	_ =	shalt  }
0x70: {  	_ =	shalt  }
0x71: {  	_ =	shalt  }
0x72: {  	_ =	shalt  }
0x73: {  	_ =	shalt  }
0x74: {  	_ =	shalt  }
0x75: {  	_ =	shalt  }
0x76: {  	_ =	shalt  }
0x77: {  	_ =	shalt  }
0x78: {  	_ =	shalt  }
0x79: {  	_ =	shalt  }
0x7a: {  	_ =	shalt  }
0x7b: {  	_ =	shalt  }
0x7c: {  	_ =	shalt  }
0x7d: {  	_ =	shalt  }
0x7e: {  	_ =	shalt  }
0x7f: {  	_ =	shalt  }
0x80: {  	_ =	shalt  }
0x81: {  	_ =	shalt  }
0x82: {  	_ =	shalt  }
0x83: {  	_ =	shalt  }
0x84: {  	_ =	shalt  }
0x85: {  	_ =	shalt  }
0x86: {  	_ =	shalt  }
0x87: {  	_ =	shalt  }
.Lfunc_end0:
.L_simem_size_0:
called_computation.2_lowered:
.L_overlay_start_0:
0x88: {  	s2 =	sld [smem:$0x3FD9]  }
0x89: {  	s3 =	sld [smem:$0x3FFE];
	_ =	sdelay $0x1  }
0x8a: {  	s1 =	srdreg.scid  }
0x8b: {  	s0 =	sand.u32 $0x1, s1  }
0x8c: {  	s17 =	sshll.u32 s0, $0xA;
	s2 =	sadd.s32 s3, s2  }
0x8d: {  	s2 =	sadd.s32 s2, s17  }
0x8e: {  	[smem:$0x3FBE] =	sst s2  }
0x8f: {  	_ = 	snop  }
0x90: {  	s2 =	sld [smem:$0x3FD0];
	(tm) =	ssettm $0x1  }
0x91: {  	s18 =	sld [smem:$0x3FFB];
	_ =	sdelay $0x3  }
0x92: {  	_ =	strace s18  }
0x93: {  	s3 =	sld [smem:$0x3FFC];
	_ =	sdelay $0x3  }
0x94: {  	_ =	strace s3  }
0x95: {  	s3 =	sld [smem:$0x3FFD];
	_ =	sdelay $0x3  }
0x96: {  	_ =	strace s3  }
0x97: {  	_ =	strace $0x8FFFFFFF  }
0x98: {  	s19 =	sld [smem:$0x3FDB];
	_ =	sdelay $0x1  }
0x99: {  	s4 =	simm.s32 $_scs_section_size  }
0x9a: {  	s5 =	simm.s32 $_size__tile_overlayer_lowered;
	s6 =	simm.s32 $_tile_overlayer_lowered  }
0x9b: {  	s22 =	simm.s32 $0x1BFF;
	s21 =	sshll.u32 s6, $0x1;
	s3 =	sadd.s32 s4, s19  }
0x9c: {  	s7 =	simm.s32 $0x0;
	s20 =	sshll.u32 s5, $0x1;
	s5 =	sadd.s32 s21, s3  }
0x9d: {  	[timem:s7], [sflag:s22] =	dma.local [hbm:s5], s20  }
0x9e: {  	_ =	swait.ge [sflag:s22], s20  }
0x9f: {  	s4 =	ssub.s32 $0x0, s20;
	[sflag:s22] =	ssyncset.done $0x0  }
0xa0: {  	[sflag:s22] =	ssyncadd.s32 s4;
	_ =	sdelay $0x1  }
0xa1: {  	s23 =	simm.s32 $0x1B8B  }
0xa2: {  	_ =	swait.ge [sflag:s23], $0x1  }
0xa3: {  	[sflag:s23] =	ssyncset.done $0x0  }
0xa4: {  	s25 =	simm.s32 $0x1B8E;
	s24 =	sld [smem:$0x3FFE];
	[sflag:s23] =	ssyncadd.s32 $0xFFFFFFFF  }
0xa5: {  	s26 =	simm.s32 $execute0_lowered;
	[smem:$0x3FD2] =	sst s25  }
0xa6: {  	s5 =	sshll.u32 s26, $0x1;
	_ =	strace $0x8000004C;
	[dreg:$0x1] =	wrdreg $0xFFFFFFFF  }
0xa7: {  	s28 =	simm.s32 $_size_execute0_lowered;
	s3 =	sadd.s32 s3, s5;
	[dreg:$0x0] =	wrdreg $0x0  }
0xa8: {  	s5 =	sshll.u32 s28, $0x1;
	[dreg:$0x2] =	wrdreg s3  }
0xa9: {  	[dreg:$0x3] =	wrdreg s5  }
0xaa: {  	[dreg:$0x4] =	wrdreg $0xC0  }
0xab: {  	_ =	task [dreg:s7], $0x5FFFF  }
0xac: {  	[dreg:$0x1] =	wrdreg $0xFFFFFFFF  }
0xad: {  	[dreg:$0x0] =	wrdreg $0x60  }
0xae: {  	[dreg:$0x2] =	wrdreg s2  }
0xaf: {  	[dreg:$0x3] =	wrdreg s24  }
0xb0: {  	[dreg:$0x4] =	wrdreg $0x41000  }
0xb1: {  	[dreg:$0x5] =	wrdreg $0x9  }
0xb2: {  	_ =	task.clear_ibuf [dreg:s7], $0x6FFFF;
	_ =	strace $0x9000004C  }
0xb3: {  	s29 =	simm.s32 $0x9;
	_ =	strace $0x8000004E  }
0xb4: {  	_ =	swait.ge [sflag:s29], $0x1  }
0xb5: {  	[sflag:s29] =	ssyncadd.s32 $0xFFFFFFFF  }
0xb6: {  	_ =	strace $0x9000004E  }
0xb7: {  	_ =	sfence  }
0xb8: {  	s30 =	sld [smem:$0x0];
	_ =	sdelay $0x2  }
0xb9: {  	s31 =	sshll.u32 s1, $0xD;
	s1 =	sshrl.u32 s1, $0x2  }
0xba: {  	s3 =	sand.u32 $0x4000, s31;
	s1 =	sadd.s32 s1, s30  }
0xbb: {  	s0 =	sor.u32 s3, s0;
	s1 =	sshll.u32 s1, $0x11  }
0xbc: {  	s0 =	sor.u32 s1, s0  }
0xbd: {  	s0 =	sadd.s32 $0x8F2B, s0  }
0xbe: {  	[sflag:s0] =	ssyncadd.remote.s32 $0x1  }
0xbf: {  	_ =	sfence.sel $0xFFFF  }
0xc0: {  	[dreg:$0x0] =	wrdreg $0xFFFFFFFF;
	(pc) =	sbr.abs _section_cstart, $3  }
0xc1: {  	[dreg:$0x1] =	wrdreg $0xFFFFFFFF  }
0xc2: {  	_ =	task.clear_ibuf [dreg:s7], $0x2FFFF;
	_ =	strace $0x9FFFFFFF  }
0xc3: {  	(tm) =	ssettm $0x7FFFFFFF  }
tec
execute0_lowered:
.L_overlay_start_1:
0x0: {  	(tag) =	ssettag $0x1  }
0x1: {  	s2 =	rddreg [dreg:$0x0]  }
0x2: {  	s5 =	rddreg [dreg:$0x1]  }
0x3: {  	s3 =	rddreg [dreg:$0x2]  }
0x4: {  	s0 =	rddreg [dreg:$0x3]  }
0x5: {  	s1 =	stileid.u32;
	s7 =	srdreg.scid;
	s4 =	simm.s32 $0x0  }
0x6: {  	s13 =	simm.s32 $0x80;
	s14 =	simm.s32 $0x100;
	s6 =	smul.u32 $0x9E0, s1  }
0x7: {  	s15 =	simm.s32 $0x1;
	s16 =	simm.s32 $0x0;
	s8 =	smul.u32 $0x14000, s1  }
0x8: {  	s7 =	sand.u32 $0x1, s7;
	[smem:$0x7FF] =	sst s4;
	s11 =	smul.u32 $0x50000, s1  }
0x9: {  	s31 =	sshll.u32 s1, $0x6;
	s9 =	smul.u32 $0x140000, s7;
	_ =	strace $0x8000004D  }
0xa: {  	s26 =	ssub.s32 $0x2, s7;
	s30 =	smul.u32 $0x4F0, s7;
	s10 =	sadd.s32 s6, s5  }
0xb: {  	s25 =	sshrl.u32 s8, $0x3;
	s28 =	sshrl.u32 s26, $0x1;
	s29 =	sshrl.u32 s11, $0x2  }
0xc: {  	s8 =	sadd.s32 s8, s9;
	s6 =	sadd.s32 s25, s5;
	s9 =	ssub.s32 s26, s28  }
0xd: {  	s12 =	sadd.s32 s29, s3;
	s10 =	sadd.s32 s30, s10;
	s8 =	sshrl.u32 s8, $0x3  }
0xe: {  	s11 =	sshrl.u32 s12, $0x3;
	s12 =	simm.s32 $0x2;
	s8 =	sadd.s32 s8, s5  }
0xf: {  	s5 =	sadd.s32 $0x3200, s6;
	s6 =	sor.u32 $0x1C02, s31;
	s7 =	sadd.s32 $0x7B200, s8  }
0x10: {  	s8 =	smax.u32 s9, $0x1;
	s9 =	sadd.s32 $0x4E5200, s10;
	s10 =	sadd.s32 $0x4EF000, s10  }
.LBB2_1:
0x11: {  	[spmem:s11], [sflag:s6] =	dma.local [hbm:s5], $0x2800  }
0x12: {  	_ =	swait.ge [sflag:s12], $0x2800  }
0x13: {  	[sflag:s12] =	ssyncset.done $0x0  }
0x14: {  	[sflag:s12] =	ssyncadd.s32 $0xFFFFD800  }
0x15: {  	s17 =	sadd.s32 $0x0, s10;
	[bflag:$0x0] =	sbarrier.arrive $0xFFFF  }
0x16: {  	[tilespmem:s13], [sflag:$0x2] =	stream.linear.gather [hbm4b:s17+s4], $0x80, $0x38;
	[tilespmem:$0x18100] =	vst v63  }
0x17: {  	_ =	swait.ge [sflag:s12], $0x80  }
0x18: {  	[sflag:s12] =	ssyncset.done $0x0  }
0x19: {  	s31 =	sadd.s32 $0x0, s9;
	[sflag:s12] =	ssyncadd.s32 $0xFFFFFF80  }
0x1a: {  	[tilespmem:s4], [sflag:$0x2] =	stream.linear.gather [hbm4b:s31+s4], $0x80, $0x38;
	[tilespmem:$0x18100] =	vst v63  }
0x1b: {  	_ =	swait.ge [sflag:s12], $0x80  }
0x1c: {  	[sflag:s12] =	ssyncset.done $0x0  }
0x1d: {  	[sflag:s12] =	ssyncadd.s32 $0xFFFFFF80  }
0x1e: {  	[tilespmem:s14], [sflag:$0x1] =	stream.indirect.gather [hbm4b:s2+s13], $0x80, s4, s13, $0xb8;
	[tilespmem:$0x18100] =	vst v63  }
0x1f: {  	_ =	swait.ge [sflag:s15], $0x4000  }
0x20: {  	[sflag:s15] =	ssyncset.done $0x0  }
0x21: {  	[sflag:s15] =	ssyncadd.s32 $0xFFFFC000  }
0x22: {  	[spmem:s3] =	stream.indirect.scatter.add.f32 [tilespmem:s14], [sflag:$0x2], $0x80, s13, s13, $0xb8;
	[tilespmem:$0x18100] =	vst v63  }
0x23: {  	_ =	swait.ge [sflag:s12], $0x4000  }
0x24: {  	s18 =	simm.s32 $0x20;
	s17 =	simm.s32 $0x10;
	[sflag:s12] =	ssyncset.done $0x0  }
.LBB2_2:
0x25: {  	s19 =	sadd.s32 s17, s10  }
0x26: {  	[sflag:s12] =	ssyncadd.s32 $0xFFFFC000;
	s20 =	smov.u32 s18;
	s21 =	sadd.s32 $0x10, s18  }
0x27: {  	[tilespmem:s13], [sflag:$0x2] =	stream.linear.gather [hbm4b:s19+s4], $0x80, $0x38;
	[tilespmem:$0x18100] =	vst v63  }
0x28: {  	p0 =	sne.s32 s18, $0x4E0;
	_ =	swait.ge [sflag:s12], $0x80  }
0x29: {  	[sflag:s12] =	ssyncset.done $0x0  }
0x2a: {  	s18 =	sadd.s32 s17, s9;
	s17 =	smov.u32 s20;
	[sflag:s12] =	ssyncadd.s32 $0xFFFFFF80  }
0x2b: {  	[tilespmem:s4], [sflag:$0x2] =	stream.linear.gather [hbm4b:s18+s4], $0x80, $0x38;
	[tilespmem:$0x18100] =	vst v63  }
0x2c: {  	_ =	swait.ge [sflag:s12], $0x80  }
0x2d: {  	[sflag:s12] =	ssyncset.done $0x0  }
0x2e: {  	[sflag:s12] =	ssyncadd.s32 $0xFFFFFF80  }
0x2f: {  	[tilespmem:s14], [sflag:$0x1] =	stream.indirect.gather [hbm4b:s2+s13], $0x80, s4, s13, $0xb8;
	[tilespmem:$0x18100] =	vst v63  }
0x30: {  	_ =	swait.ge [sflag:s15], $0x4000  }
.Ltmp0:
0x31: {  	[sflag:s15] =	ssyncset.done $0x0;
	(pc) =	sbr.rel @p0 .LBB2_2-.Ltmp0, $4  }
0x32: {  	[sflag:s15] =	ssyncadd.s32 $0xFFFFC000  }
0x33: {  	[spmem:s3] =	stream.indirect.scatter.add.f32 [tilespmem:s14], [sflag:$0x2], $0x80, s13, s13, $0xb8;
	[tilespmem:$0x18100] =	vst v63  }
0x34: {  	_ =	swait.ge [sflag:s12], $0x4000  }
0x35: {  	s18 =	smov.u32 s21;
	[sflag:s12] =	ssyncset.done $0x0  }
0x36: {  	s18 =	sadd.s32 s17, s10;
	[sflag:s12] =	ssyncadd.s32 $0xFFFFC000  }
0x37: {  	[tilespmem:s13], [sflag:$0x2] =	stream.linear.gather [hbm4b:s18+s4], $0x80, $0x38;
	[tilespmem:$0x18100] =	vst v63  }
0x38: {  	_ =	swait.ge [sflag:s12], $0x80  }
0x39: {  	[sflag:s12] =	ssyncset.done $0x0  }
0x3a: {  	s31 =	sadd.s32 s17, s9;
	[sflag:s12] =	ssyncadd.s32 $0xFFFFFF80  }
0x3b: {  	[tilespmem:s4], [sflag:$0x2] =	stream.linear.gather [hbm4b:s31+s4], $0x80, $0x38;
	[tilespmem:$0x18100] =	vst v63  }
0x3c: {  	_ =	swait.ge [sflag:s12], $0x80  }
0x3d: {  	[sflag:s12] =	ssyncset.done $0x0  }
0x3e: {  	[sflag:s12] =	ssyncadd.s32 $0xFFFFFF80  }
0x3f: {  	[tilespmem:s14], [sflag:$0x1] =	stream.indirect.gather [hbm4b:s2+s13], $0x80, s4, s13, $0xb8;
	[tilespmem:$0x18100] =	vst v63  }
0x40: {  	_ =	swait.ge [sflag:s15], $0x4000  }
0x41: {  	[sflag:s15] =	ssyncset.done $0x0  }
0x42: {  	[sflag:s15] =	ssyncadd.s32 $0xFFFFC000  }
0x43: {  	[spmem:s3] =	stream.indirect.scatter.add.f32 [tilespmem:s14], [sflag:$0x2], $0x80, s13, s13, $0xb8;
	[tilespmem:$0x18100] =	vst v63  }
0x44: {  	_ =	swait.ge [sflag:s12], $0x4000  }
0x45: {  	s16 =	sadd.s32 $0x1, s16;
	[sflag:s12] =	ssyncset.done $0x0  }
0x46: {  	p0 =	sne.s32 s16, s8;
	[sflag:s12] =	ssyncadd.s32 $0xFFFFC000  }
.Ltmp1:
0x47: {  	[bflag:$0x0] =	sbarrier.arrive $0xFFFF;
	(pc) =	sbr.rel @p0 .LBB2_1-.Ltmp1, $4  }
0x48: {  	[hbm:s7], [sflag:s6] =	dma.local [spmem:s11], $0x2800  }
0x49: {  	_ =	swait.ge [sflag:s12], $0x2800  }
0x4a: {  	[sflag:s12] =	ssyncset.done $0x0  }
0x4b: {  	[sflag:s12] =	ssyncadd.s32 $0xFFFFD800  }
0x4c: {  	_ =	sfence.sel $0x180000  }
0x4d: {  	[bflag:$0x0] =	sbarrier.arrive $0xFFFF  }
0x4e: {  	p0 =	sne.s32 s1, $0x0;
	_ =	strace $0x9000004D  }
0x4f: {  	s0 =	sadd.s32 @!p0 $0x100000, s0;
	[bflag:$0x2] =	sbarrier.arrive $0xFFFF  }
0x50: {  	[sflag:s0] =	ssyncadd.tile.s32 @!p0 $0x1;
	_ =	shalt  }
.Lfunc_end2:
_tile_overlayer_lowered:
.L_overlay_start_2:
0x51: {  	(tag) =	ssettag $0x2  }
0x52: {  	s0 =	rddreg [dreg:$0x0];
	s2 =	stileid.u32  }
0x53: {  	s1 =	rddreg [dreg:$0x1];
	p0 =	sne.s32 s2, $0x0  }
0x54: {  	s3 =	rddreg [dreg:$0x2];
	[bflag:$0x3] =	sbarrier.arrive $0xFFFF;
	s2 =	simm.s32 @!p0 $0x1C02  }
0x55: {  	[timem:s3], [sflag:s2] =	dma.local @!p0 [hbm:s0], s1  }
0x56: {  	s0 =	simm.s32 @!p0 $0x2  }
0x57: {  	_ =	swait.ge @!p0 [sflag:s0], s1  }
0x58: {  	s1 =	ssub.s32 @!p0 $0x0, s1;
	[sflag:s0] =	ssyncset.done @!p0 $0x0  }
0x59: {  	[sflag:s0] =	ssyncadd.s32 @!p0 s1  }
0x5a: {  	[bflag:$0x3] =	sbarrier.arrive $0xFFFF  }
0x5b: {  	_ =	shalt  }

// kernel: kernel.19.cloned.1.call-start
scs
__scs_entry_jumppad:
0x0: {  	(pc) =	sbr.rel $0x88, $3  }
0x1: {  	(tag) =	ssettag $0x0;
	lr =	simm.s32 $0x1  }
0x2: {  	[smem:$0x3F97] =	sst lr;
	_ =	strace $0xD0000000  }
0x3: {  	_ = 	snop  }
0x4: {  	_ = 	snop  }
0x5: {  	_ = 	snop  }
0x6: {  	_ = 	snop  }
0x7: {  	_ = 	snop  }
__scs_overlays_trampoline_lowered:
0x8: {  	[smem:$0x3FA6] =	sst s0  }
0x9: {  	[smem:$0x3FA7] =	sst s1  }
0xa: {  	[smem:$0x3FA8] =	sst s2  }
0xb: {  	[smem:$0x3FA9] =	sst s3  }
0xc: {  	[smem:$0x3FAA] =	sst s4  }
0xd: {  	[smem:$0x3FAB] =	sst s5  }
0xe: {  	[smem:$0x3FAC] =	sst s6  }
0xf: {  	[smem:$0x3FAD] =	sst s7  }
0x10: {  	[smem:$0x3FAE] =	sst s8  }
0x11: {  	[smem:$0x3FAF] =	sst s9;
	s0 =	simm.s32 @!p0 $0x0  }
0x12: {  	s1 =	sld [smem:$0x3F95];
	s0 =	simm.s32 @p0 $0x1  }
0x13: {  	[smem:$0x3FB0] =	sst s0;
	s0 =	simm.s32 @!p1 $0x0  }
0x14: {  	s2 =	sld [smem:$0x3F94];
	s0 =	simm.s32 @p1 $0x1  }
0x15: {  	[smem:$0x3FB1] =	sst s0;
	s0 =	simm.s32 @!p2 $0x0  }
0x16: {  	s3 =	sld [smem:$0x3FDB];
	s0 =	simm.s32 @p2 $0x1  }
0x17: {  	s4 =	simm.s32 $0x1BF5;
	[smem:$0x3FB3] =	sst s0  }
0x18: {  	s0 =	sld [smem:$0x3F96];
	_ =	swait.ge [sflag:s4], $0x0  }
0x19: {  	s7 =	sld [smem:$0x3F97]  }
0x1a: {  	s8 =	sadd.s32 $0xFFFFE003, lr  }
0x1b: {  	s9 =	sadd.s32 $0xFFFFFEF7, lr;
	s5 =	simm.s32 $0xFFFFFFFF;
	p2 =	slt.u32 s8, $0xFFFFF086  }
0x1c: {  	p1 =	slt.u32 s9, $0xF7A;
	s5 =	simm.s32 @!p2 $0x0  }
0x1d: {  	s5 =	simm.s32 @p1 $0x1;
	p0 =	seq.s32 s7, s2  }
0x1e: {  	s7 =	smul.u32 @!p0 $0xF7A, s2;
	p2 =	seq.s32 @!p0 s5, $0x0  }
0x1f: {  	s9 =	smul.u32 $0xF7A, s1;
	s8 =	simm.s32 @!p0 $0x1BF5;
	p2 =	por !p2, p0  }
0x20: {  	[sflag:s8] =	ssyncset.s32 @!p0 $0xFFFFF086;
	s6 =	sadd.s32 @!p0 s3, s7;
	s7 =	simm.s32 @!p0 $0x108  }
0x21: {  	s3 =	sadd.s32 s3, s9;
	s6 =	sadd.s32 @!p0 $0x88, s6;
	s7 =	simm.s32 @p2 $0x1082  }
0x22: {  	[simem:s7], [sflag:s8] =	dma.local @!p0 [hbm:s6], $0xF7A  }
0x23: {  	s9 =	sor.u32 $0xD0000000, s2;
	s6 =	simm.s32 $0x108;
	_ =	swait.ge @!p0 [sflag:s8], $0x0  }
0x24: {  	s3 =	sadd.s32 $0x88, s3;
	s6 =	simm.s32 @!p1 $0x1082;
	[sflag:s4] =	ssyncset.s32 $0xFFFFF086  }
0x25: {  	[simem:s6], [sflag:s4] =	dma.local [hbm:s3], $0xF7A  }
0x26: {  	[smem:$0x3F97] =	sst s1;
	(tag) =	ssettag s2;
	_ =	strace s9  }
0x27: {  	s1 =	sld [smem:$0x3FA7]  }
0x28: {  	s2 =	sld [smem:$0x3FA8]  }
0x29: {  	s4 =	sld [smem:$0x3FAA]  }
0x2a: {  	p0 =	seq.s32 s5, $0x0;
	s5 =	sld [smem:$0x3FAB]  }
0x2b: {  	s6 =	sld [smem:$0x3FAC]  }
0x2c: {  	s7 =	sld [smem:$0x3FAD]  }
0x2d: {  	s3 =	simm.s32 $0x108;
	s8 =	sld [smem:$0x3FAE]  }
0x2e: {  	s3 =	simm.s32 @!p0 $0x1082;
	s9 =	sld [smem:$0x3FAF]  }
0x2f: {  	lr =	sadd.s32 s0, s3;
	s0 =	sld [smem:$0x3FA6]  }
0x30: {  	s3 =	sld [smem:$0x3FA9]  }
0x31: {  	[smem:$0x3FB2] =	sst s10  }
0x32: {  	s10 =	sld [smem:$0x3FB0];
	_ =	sdelay $0x3  }
0x33: {  	p0 =	seq.s32 s10, $0x1;
	s10 =	sld [smem:$0x3FB2];
	_ =	sdelay $0x3  }
0x34: {  	[smem:$0x3FB2] =	sst s10  }
0x35: {  	s10 =	sld [smem:$0x3FB1];
	_ =	sdelay $0x3  }
0x36: {  	p1 =	seq.s32 s10, $0x1;
	s10 =	sld [smem:$0x3FB2];
	_ =	sdelay $0x3  }
0x37: {  	[smem:$0x3FB2] =	sst s10  }
0x38: {  	s10 =	sld [smem:$0x3FB3]  }
0x39: {  	_ = 	snop;
	(pc) =	sbr.ind lr, $3  }
0x3a: {  	_ = 	snop  }
0x3b: {  	_ = 	snop  }
0x3c: {  	p2 =	seq.s32 s10, $0x1;
	s10 =	sld [smem:$0x3FB2]  }
0x3d: {  	_ =	shalt  }
0x3e: {  	_ =	shalt  }
0x3f: {  	_ =	shalt  }
0x40: {  	_ =	shalt  }
0x41: {  	_ =	shalt  }
0x42: {  	_ =	shalt  }
0x43: {  	_ =	shalt  }
0x44: {  	_ =	shalt  }
0x45: {  	_ =	shalt  }
0x46: {  	_ =	shalt  }
0x47: {  	_ =	shalt  }
0x48: {  	_ =	shalt  }
0x49: {  	_ =	shalt  }
0x4a: {  	_ =	shalt  }
0x4b: {  	_ =	shalt  }
0x4c: {  	_ =	shalt  }
0x4d: {  	_ =	shalt  }
0x4e: {  	_ =	shalt  }
0x4f: {  	_ =	shalt  }
0x50: {  	_ =	shalt  }
0x51: {  	_ =	shalt  }
0x52: {  	_ =	shalt  }
0x53: {  	_ =	shalt  }
0x54: {  	_ =	shalt  }
0x55: {  	_ =	shalt  }
0x56: {  	_ =	shalt  }
0x57: {  	_ =	shalt  }
0x58: {  	_ =	shalt  }
0x59: {  	_ =	shalt  }
0x5a: {  	_ =	shalt  }
0x5b: {  	_ =	shalt  }
0x5c: {  	_ =	shalt  }
0x5d: {  	_ =	shalt  }
0x5e: {  	_ =	shalt  }
0x5f: {  	_ =	shalt  }
0x60: {  	_ =	shalt  }
0x61: {  	_ =	shalt  }
0x62: {  	_ =	shalt  }
0x63: {  	_ =	shalt  }
0x64: {  	_ =	shalt  }
0x65: {  	_ =	shalt  }
0x66: {  	_ =	shalt  }
0x67: {  	_ =	shalt  }
0x68: {  	_ =	shalt  }
0x69: {  	_ =	shalt  }
0x6a: {  	_ =	shalt  }
0x6b: {  	_ =	shalt  }
0x6c: {  	_ =	shalt  }
0x6d: {  	_ =	shalt  }
0x6e: {  	_ =	shalt  }
0x6f: {  	_ =	shalt  }
0x70: {  	_ =	shalt  }
0x71: {  	_ =	shalt  }
0x72: {  	_ =	shalt  }
0x73: {  	_ =	shalt  }
0x74: {  	_ =	shalt  }
0x75: {  	_ =	shalt  }
0x76: {  	_ =	shalt  }
0x77: {  	_ =	shalt  }
0x78: {  	_ =	shalt  }
0x79: {  	_ =	shalt  }
0x7a: {  	_ =	shalt  }
0x7b: {  	_ =	shalt  }
0x7c: {  	_ =	shalt  }
0x7d: {  	_ =	shalt  }
0x7e: {  	_ =	shalt  }
0x7f: {  	_ =	shalt  }
0x80: {  	_ =	shalt  }
0x81: {  	_ =	shalt  }
0x82: {  	_ =	shalt  }
0x83: {  	_ =	shalt  }
0x84: {  	_ =	shalt  }
0x85: {  	_ =	shalt  }
0x86: {  	_ =	shalt  }
0x87: {  	_ =	shalt  }
.Lfunc_end0:
.L_simem_size_0:
called_computation.3_lowered:
.L_overlay_start_0:
0x88: {  	s2 =	sld [smem:$0x3FD9]  }
0x89: {  	s3 =	sld [smem:$0x3FFE];
	_ =	sdelay $0x1  }
0x8a: {  	s1 =	srdreg.scid  }
0x8b: {  	s0 =	sand.u32 $0x1, s1  }
0x8c: {  	s17 =	sshll.u32 s0, $0xA;
	s2 =	sadd.s32 s3, s2  }
0x8d: {  	s2 =	sadd.s32 s2, s17  }
0x8e: {  	[smem:$0x3FBE] =	sst s2  }
0x8f: {  	_ = 	snop  }
0x90: {  	s2 =	sld [smem:$0x3FD0];
	(tm) =	ssettm $0x1  }
0x91: {  	s18 =	sld [smem:$0x3FFB];
	_ =	sdelay $0x3  }
0x92: {  	_ =	strace s18  }
0x93: {  	s3 =	sld [smem:$0x3FFC];
	_ =	sdelay $0x3  }
0x94: {  	_ =	strace s3  }
0x95: {  	s3 =	sld [smem:$0x3FFD];
	_ =	sdelay $0x3  }
0x96: {  	_ =	strace s3  }
0x97: {  	_ =	strace $0x8FFFFFFF  }
0x98: {  	s19 =	sld [smem:$0x3FDB];
	_ =	sdelay $0x1  }
0x99: {  	s4 =	simm.s32 $_scs_section_size  }
0x9a: {  	s5 =	simm.s32 $_size__tile_overlayer_lowered;
	s6 =	simm.s32 $_tile_overlayer_lowered  }
0x9b: {  	s22 =	simm.s32 $0x1BFF;
	s21 =	sshll.u32 s6, $0x1;
	s3 =	sadd.s32 s4, s19  }
0x9c: {  	s7 =	simm.s32 $0x0;
	s20 =	sshll.u32 s5, $0x1;
	s5 =	sadd.s32 s21, s3  }
0x9d: {  	[timem:s7], [sflag:s22] =	dma.local [hbm:s5], s20  }
0x9e: {  	_ =	swait.ge [sflag:s22], s20  }
0x9f: {  	s4 =	ssub.s32 $0x0, s20;
	[sflag:s22] =	ssyncset.done $0x0  }
0xa0: {  	[sflag:s22] =	ssyncadd.s32 s4;
	_ =	sdelay $0x1  }
0xa1: {  	s23 =	simm.s32 $0x1B8B  }
0xa2: {  	_ =	swait.ge [sflag:s23], $0x1  }
0xa3: {  	[sflag:s23] =	ssyncset.done $0x0  }
0xa4: {  	s25 =	simm.s32 $0x1B8E;
	s24 =	sld [smem:$0x3FFE];
	[sflag:s23] =	ssyncadd.s32 $0xFFFFFFFF  }
0xa5: {  	s26 =	simm.s32 $execute0_lowered;
	[smem:$0x3FD2] =	sst s25  }
0xa6: {  	s5 =	sshll.u32 s26, $0x1;
	_ =	strace $0x8000004F;
	[dreg:$0x1] =	wrdreg $0xFFFFFFFF  }
0xa7: {  	s28 =	simm.s32 $_size_execute0_lowered;
	s3 =	sadd.s32 s3, s5;
	[dreg:$0x0] =	wrdreg $0x0  }
0xa8: {  	s5 =	sshll.u32 s28, $0x1;
	[dreg:$0x2] =	wrdreg s3  }
0xa9: {  	[dreg:$0x3] =	wrdreg s5  }
0xaa: {  	[dreg:$0x4] =	wrdreg $0xC0  }
0xab: {  	_ =	task [dreg:s7], $0x5FFFF  }
0xac: {  	[dreg:$0x1] =	wrdreg $0xFFFFFFFF  }
0xad: {  	[dreg:$0x0] =	wrdreg $0x60  }
0xae: {  	[dreg:$0x2] =	wrdreg s2  }
0xaf: {  	[dreg:$0x3] =	wrdreg s24  }
0xb0: {  	[dreg:$0x4] =	wrdreg $0x41000  }
0xb1: {  	[dreg:$0x5] =	wrdreg $0x9  }
0xb2: {  	_ =	task.clear_ibuf [dreg:s7], $0x6FFFF;
	_ =	strace $0x9000004F  }
0xb3: {  	s29 =	simm.s32 $0x9;
	_ =	strace $0x80000051  }
0xb4: {  	_ =	swait.ge [sflag:s29], $0x1  }
0xb5: {  	[sflag:s29] =	ssyncadd.s32 $0xFFFFFFFF  }
0xb6: {  	_ =	strace $0x90000051  }
0xb7: {  	_ =	sfence  }
0xb8: {  	s30 =	sld [smem:$0x0];
	_ =	sdelay $0x2  }
0xb9: {  	s31 =	sshll.u32 s1, $0xD;
	s1 =	sshrl.u32 s1, $0x2  }
0xba: {  	s3 =	sand.u32 $0x4000, s31;
	s1 =	sadd.s32 s1, s30  }
0xbb: {  	s0 =	sor.u32 s3, s0;
	s1 =	sshll.u32 s1, $0x11  }
0xbc: {  	s0 =	sor.u32 s1, s0  }
0xbd: {  	s0 =	sadd.s32 $0x8F2B, s0  }
0xbe: {  	[sflag:s0] =	ssyncadd.remote.s32 $0x1  }
0xbf: {  	_ =	sfence.sel $0xFFFF  }
0xc0: {  	[dreg:$0x0] =	wrdreg $0xFFFFFFFF;
	(pc) =	sbr.abs _section_cstart, $3  }
0xc1: {  	[dreg:$0x1] =	wrdreg $0xFFFFFFFF  }
0xc2: {  	_ =	task.clear_ibuf [dreg:s7], $0x2FFFF;
	_ =	strace $0x9FFFFFFF  }
0xc3: {  	(tm) =	ssettm $0x7FFFFFFF  }
tec
execute0_lowered:
.L_overlay_start_1:
0x0: {  	(tag) =	ssettag $0x1  }
0x1: {  	s2 =	rddreg [dreg:$0x0]  }
0x2: {  	s5 =	rddreg [dreg:$0x1]  }
0x3: {  	s3 =	rddreg [dreg:$0x2]  }
0x4: {  	s0 =	rddreg [dreg:$0x3]  }
0x5: {  	s1 =	stileid.u32;
	s7 =	srdreg.scid;
	s4 =	simm.s32 $0x0  }
0x6: {  	s13 =	simm.s32 $0x80;
	s14 =	simm.s32 $0x100;
	s6 =	smul.u32 $0x9E0, s1  }
0x7: {  	s15 =	simm.s32 $0x1;
	s16 =	simm.s32 $0x0;
	s8 =	smul.u32 $0x14000, s1  }
0x8: {  	s7 =	sand.u32 $0x1, s7;
	[smem:$0x7FF] =	sst s4;
	s11 =	smul.u32 $0x50000, s1  }
0x9: {  	s31 =	sshll.u32 s1, $0x6;
	s9 =	smul.u32 $0x140000, s7;
	_ =	strace $0x80000050  }
0xa: {  	s26 =	ssub.s32 $0x2, s7;
	s30 =	smul.u32 $0x4F0, s7;
	s10 =	sadd.s32 s6, s5  }
0xb: {  	s25 =	sshrl.u32 s8, $0x3;
	s28 =	sshrl.u32 s26, $0x1;
	s29 =	sshrl.u32 s11, $0x2  }
0xc: {  	s8 =	sadd.s32 s8, s9;
	s6 =	sadd.s32 s25, s5;
	s9 =	ssub.s32 s26, s28  }
0xd: {  	s12 =	sadd.s32 s29, s3;
	s10 =	sadd.s32 s30, s10;
	s8 =	sshrl.u32 s8, $0x3  }
0xe: {  	s11 =	sshrl.u32 s12, $0x3;
	s12 =	simm.s32 $0x2;
	s8 =	sadd.s32 s8, s5  }
0xf: {  	s5 =	sadd.s32 $0x3200, s6;
	s6 =	sor.u32 $0x1C02, s31;
	s7 =	sadd.s32 $0x7B200, s8  }
0x10: {  	s8 =	smax.u32 s9, $0x1;
	s9 =	sadd.s32 $0x4E5200, s10;
	s10 =	sadd.s32 $0x4EF000, s10  }
.LBB2_1:
0x11: {  	[spmem:s11], [sflag:s6] =	dma.local [hbm:s5], $0x2800  }
0x12: {  	_ =	swait.ge [sflag:s12], $0x2800  }
0x13: {  	[sflag:s12] =	ssyncset.done $0x0  }
0x14: {  	[sflag:s12] =	ssyncadd.s32 $0xFFFFD800  }
0x15: {  	s17 =	sadd.s32 $0x0, s10;
	[bflag:$0x0] =	sbarrier.arrive $0xFFFF  }
0x16: {  	[tilespmem:s13], [sflag:$0x2] =	stream.linear.gather [hbm4b:s17+s4], $0x80, $0x38;
	[tilespmem:$0x18100] =	vst v63  }
0x17: {  	_ =	swait.ge [sflag:s12], $0x80  }
0x18: {  	[sflag:s12] =	ssyncset.done $0x0  }
0x19: {  	s31 =	sadd.s32 $0x0, s9;
	[sflag:s12] =	ssyncadd.s32 $0xFFFFFF80  }
0x1a: {  	[tilespmem:s4], [sflag:$0x2] =	stream.linear.gather [hbm4b:s31+s4], $0x80, $0x38;
	[tilespmem:$0x18100] =	vst v63  }
0x1b: {  	_ =	swait.ge [sflag:s12], $0x80  }
0x1c: {  	[sflag:s12] =	ssyncset.done $0x0  }
0x1d: {  	[sflag:s12] =	ssyncadd.s32 $0xFFFFFF80  }
0x1e: {  	[tilespmem:s14], [sflag:$0x1] =	stream.indirect.gather [hbm4b:s2+s13], $0x80, s4, s13, $0xb8;
	[tilespmem:$0x18100] =	vst v63  }
0x1f: {  	_ =	swait.ge [sflag:s15], $0x4000  }
0x20: {  	[sflag:s15] =	ssyncset.done $0x0  }
0x21: {  	[sflag:s15] =	ssyncadd.s32 $0xFFFFC000  }
0x22: {  	[spmem:s3] =	stream.indirect.scatter.add.f32 [tilespmem:s14], [sflag:$0x2], $0x80, s13, s13, $0xb8;
	[tilespmem:$0x18100] =	vst v63  }
0x23: {  	_ =	swait.ge [sflag:s12], $0x4000  }
0x24: {  	s18 =	simm.s32 $0x20;
	s17 =	simm.s32 $0x10;
	[sflag:s12] =	ssyncset.done $0x0  }
.LBB2_2:
0x25: {  	s19 =	sadd.s32 s17, s10  }
0x26: {  	[sflag:s12] =	ssyncadd.s32 $0xFFFFC000;
	s20 =	smov.u32 s18;
	s21 =	sadd.s32 $0x10, s18  }
0x27: {  	[tilespmem:s13], [sflag:$0x2] =	stream.linear.gather [hbm4b:s19+s4], $0x80, $0x38;
	[tilespmem:$0x18100] =	vst v63  }
0x28: {  	p0 =	sne.s32 s18, $0x4E0;
	_ =	swait.ge [sflag:s12], $0x80  }
0x29: {  	[sflag:s12] =	ssyncset.done $0x0  }
0x2a: {  	s18 =	sadd.s32 s17, s9;
	s17 =	smov.u32 s20;
	[sflag:s12] =	ssyncadd.s32 $0xFFFFFF80  }
0x2b: {  	[tilespmem:s4], [sflag:$0x2] =	stream.linear.gather [hbm4b:s18+s4], $0x80, $0x38;
	[tilespmem:$0x18100] =	vst v63  }
0x2c: {  	_ =	swait.ge [sflag:s12], $0x80  }
0x2d: {  	[sflag:s12] =	ssyncset.done $0x0  }
0x2e: {  	[sflag:s12] =	ssyncadd.s32 $0xFFFFFF80  }
0x2f: {  	[tilespmem:s14], [sflag:$0x1] =	stream.indirect.gather [hbm4b:s2+s13], $0x80, s4, s13, $0xb8;
	[tilespmem:$0x18100] =	vst v63  }
0x30: {  	_ =	swait.ge [sflag:s15], $0x4000  }
.Ltmp0:
0x31: {  	[sflag:s15] =	ssyncset.done $0x0;
	(pc) =	sbr.rel @p0 .LBB2_2-.Ltmp0, $4  }
0x32: {  	[sflag:s15] =	ssyncadd.s32 $0xFFFFC000  }
0x33: {  	[spmem:s3] =	stream.indirect.scatter.add.f32 [tilespmem:s14], [sflag:$0x2], $0x80, s13, s13, $0xb8;
	[tilespmem:$0x18100] =	vst v63  }
0x34: {  	_ =	swait.ge [sflag:s12], $0x4000  }
0x35: {  	s18 =	smov.u32 s21;
	[sflag:s12] =	ssyncset.done $0x0  }
0x36: {  	s18 =	sadd.s32 s17, s10;
	[sflag:s12] =	ssyncadd.s32 $0xFFFFC000  }
0x37: {  	[tilespmem:s13], [sflag:$0x2] =	stream.linear.gather [hbm4b:s18+s4], $0x80, $0x38;
	[tilespmem:$0x18100] =	vst v63  }
0x38: {  	_ =	swait.ge [sflag:s12], $0x80  }
0x39: {  	[sflag:s12] =	ssyncset.done $0x0  }
0x3a: {  	s31 =	sadd.s32 s17, s9;
	[sflag:s12] =	ssyncadd.s32 $0xFFFFFF80  }
0x3b: {  	[tilespmem:s4], [sflag:$0x2] =	stream.linear.gather [hbm4b:s31+s4], $0x80, $0x38;
	[tilespmem:$0x18100] =	vst v63  }
0x3c: {  	_ =	swait.ge [sflag:s12], $0x80  }
0x3d: {  	[sflag:s12] =	ssyncset.done $0x0  }
0x3e: {  	[sflag:s12] =	ssyncadd.s32 $0xFFFFFF80  }
0x3f: {  	[tilespmem:s14], [sflag:$0x1] =	stream.indirect.gather [hbm4b:s2+s13], $0x80, s4, s13, $0xb8;
	[tilespmem:$0x18100] =	vst v63  }
0x40: {  	_ =	swait.ge [sflag:s15], $0x4000  }
0x41: {  	[sflag:s15] =	ssyncset.done $0x0  }
0x42: {  	[sflag:s15] =	ssyncadd.s32 $0xFFFFC000  }
0x43: {  	[spmem:s3] =	stream.indirect.scatter.add.f32 [tilespmem:s14], [sflag:$0x2], $0x80, s13, s13, $0xb8;
	[tilespmem:$0x18100] =	vst v63  }
0x44: {  	_ =	swait.ge [sflag:s12], $0x4000  }
0x45: {  	s16 =	sadd.s32 $0x1, s16;
	[sflag:s12] =	ssyncset.done $0x0  }
0x46: {  	p0 =	sne.s32 s16, s8;
	[sflag:s12] =	ssyncadd.s32 $0xFFFFC000  }
.Ltmp1:
0x47: {  	[bflag:$0x0] =	sbarrier.arrive $0xFFFF;
	(pc) =	sbr.rel @p0 .LBB2_1-.Ltmp1, $4  }
0x48: {  	[hbm:s7], [sflag:s6] =	dma.local [spmem:s11], $0x2800  }
0x49: {  	_ =	swait.ge [sflag:s12], $0x2800  }
0x4a: {  	[sflag:s12] =	ssyncset.done $0x0  }
0x4b: {  	[sflag:s12] =	ssyncadd.s32 $0xFFFFD800  }
0x4c: {  	_ =	sfence.sel $0x180000  }
0x4d: {  	[bflag:$0x0] =	sbarrier.arrive $0xFFFF  }
0x4e: {  	p0 =	sne.s32 s1, $0x0;
	_ =	strace $0x90000050  }
0x4f: {  	s0 =	sadd.s32 @!p0 $0x100000, s0;
	[bflag:$0x2] =	sbarrier.arrive $0xFFFF  }
0x50: {  	[sflag:s0] =	ssyncadd.tile.s32 @!p0 $0x1;
	_ =	shalt  }
.Lfunc_end2:
_tile_overlayer_lowered:
.L_overlay_start_2:
0x51: {  	(tag) =	ssettag $0x2  }
0x52: {  	s0 =	rddreg [dreg:$0x0];
	s2 =	stileid.u32  }
0x53: {  	s1 =	rddreg [dreg:$0x1];
	p0 =	sne.s32 s2, $0x0  }
0x54: {  	s3 =	rddreg [dreg:$0x2];
	[bflag:$0x3] =	sbarrier.arrive $0xFFFF;
	s2 =	simm.s32 @!p0 $0x1C02  }
0x55: {  	[timem:s3], [sflag:s2] =	dma.local @!p0 [hbm:s0], s1  }
0x56: {  	s0 =	simm.s32 @!p0 $0x2  }
0x57: {  	_ =	swait.ge @!p0 [sflag:s0], s1  }
0x58: {  	s1 =	ssub.s32 @!p0 $0x0, s1;
	[sflag:s0] =	ssyncset.done @!p0 $0x0  }
0x59: {  	[sflag:s0] =	ssyncadd.s32 @!p0 s1  }
0x5a: {  	[bflag:$0x3] =	sbarrier.arrive $0xFFFF  }
0x5b: {  	_ =	shalt  }

</sc_bundles>
